<compile_context>
chip_gen: v7x
topology: tpu7x:2x2x1
jax: 0.10.2.dev20260603
libtpu: 0.0.44.dev20260713+nightly
codegen_flags: <defaults>
</compile_context>

<pallas_src>
import functools

import jax
import jax.numpy as jnp
from jax import lax
from jax.experimental import pallas as pl
from jax.experimental.pallas import tpu as pltpu
from jax.experimental.pallas import tpu_sc as plsc

E = 8
G = 4
S = 2048
D = 1024
DFF = 768
TILE = 256
C = S * 2 + G * TILE
NT = C // TILE
NW = 32
TPW = S // NW



def _router_kernel(mg_ref, x_ref, gw_ref, pos_ref, w_ref, tmeta_ref):
    x = x_ref[...]
    logits = lax.dot_general(x, gw_ref[...], (((1,), (1,)), ((), ())),
                             preferred_element_type=jnp.float32)
    m = jnp.max(logits, axis=1, keepdims=True)
    ex = jnp.exp(logits - m)
    probs = ex / jnp.sum(ex, axis=1, keepdims=True)

    i1 = jnp.argmax(probs, axis=1)
    v1 = jnp.max(probs, axis=1)
    iota_e = lax.broadcasted_iota(jnp.int32, probs.shape, 1)
    masked = jnp.where(iota_e == i1[:, None], -jnp.inf, probs)
    i2 = jnp.argmax(masked, axis=1)
    v2 = jnp.max(masked, axis=1)
    denom = v1 + v2
    w0 = v1 / denom
    w1 = v2 / denom

    e1 = (iota_e == i1[:, None]).astype(jnp.float32)
    e2 = (iota_e == i2[:, None]).astype(jnp.float32)
    iota_eg_e = lax.broadcasted_iota(jnp.int32, (E, G), 0)
    iota_eg_g = lax.broadcasted_iota(jnp.int32, (E, G), 1)
    mgv = jnp.zeros((E, G), jnp.int32)
    for e in range(E):
        mgv = mgv + jnp.where(iota_eg_e == e, mg_ref[e], 0)
    gm = (iota_eg_g == mgv).astype(jnp.float32)
    m1 = lax.dot_general(e1, gm, (((1,), (0,)), ((), ())),
                         preferred_element_type=jnp.float32)
    m2 = lax.dot_general(e2, gm, (((1,), (0,)), ((), ())),
                         preferred_element_type=jnp.float32)

    ia = lax.broadcasted_iota(jnp.int32, (S, S), 0)
    ib = lax.broadcasted_iota(jnp.int32, (S, S), 1)
    ltri = (ib < ia).astype(jnp.float32)
    r0 = lax.dot_general(ltri, m1, (((1,), (0,)), ((), ())),
                         preferred_element_type=jnp.float32)
    r1 = lax.dot_general(ltri, m2, (((1,), (0,)), ((), ())),
                         preferred_element_type=jnp.float32)

    c0 = jnp.sum(m1, axis=0, keepdims=True)
    c1 = jnp.sum(m2, axis=0, keepdims=True)
    ctot = c0 + c1
    pc = jnp.ceil(ctot / TILE) * TILE
    ig_a = lax.broadcasted_iota(jnp.int32, (G, G), 0)
    ig_b = lax.broadcasted_iota(jnp.int32, (G, G), 1)
    ltri_g = (ig_a < ig_b).astype(jnp.float32)
    st = lax.dot_general(pc, ltri_g, (((1,), (0,)), ((), ())),
                         preferred_element_type=jnp.float32)

    pos0 = jnp.sum(m1 * (st + r0), axis=1)
    pos1 = jnp.sum(m2 * (st + c0 + r1), axis=1)

    iota_se = lax.broadcasted_iota(jnp.int32, (S, E), 1)
    pos_mat = (jnp.where(iota_se == 0, pos0[:, None], 0.0)
               + jnp.where(iota_se == 1, pos1[:, None], 0.0))
    w_mat = (jnp.where(iota_se == 0, w0[:, None], 0.0)
             + jnp.where(iota_se == 1, w1[:, None], 0.0))
    pos_ref[...] = pos_mat.astype(jnp.int32)
    w_ref[...] = w_mat

    ti = (lax.broadcasted_iota(jnp.int32, (8, 128), 1) * TILE).astype(jnp.float32)
    tg = jnp.zeros((8, 128), jnp.int32)
    for g in range(1, G):
        tg = tg + jnp.where(ti >= st[0:1, g:g + 1], 1, 0)
    nact = (jnp.sum(pc) / TILE).astype(jnp.int32)
    tmeta_ref[0:1, :] = tg[0:1, :]
    tmeta_ref[1:2, :] = jnp.full((1, 128), nact, jnp.int32)


def _router(x, gate_weight, merge_groups):
    grid_spec = pltpu.PrefetchScalarGridSpec(
        num_scalar_prefetch=1,
        grid=(1,),
        in_specs=[
            pl.BlockSpec((S, D), lambda i, mg: (0, 0)),
            pl.BlockSpec((E, D), lambda i, mg: (0, 0)),
        ],
        out_specs=[
            pl.BlockSpec((S, E), lambda i, mg: (0, 0)),
            pl.BlockSpec((S, E), lambda i, mg: (0, 0)),
            pl.BlockSpec((8, 128), lambda i, mg: (0, 0)),
        ],
    )
    return pl.pallas_call(
        _router_kernel,
        grid_spec=grid_spec,
        out_shape=[
            jax.ShapeDtypeStruct((S, E), jnp.int32),
            jax.ShapeDtypeStruct((S, E), jnp.float32),
            jax.ShapeDtypeStruct((8, 128), jnp.int32),
        ],
    )(merge_groups, x, gate_weight)



def _make_scatter():
    mesh = plsc.VectorSubcoreMesh(core_axis_name="c", subcore_axis_name="s")

    @functools.partial(
        pl.kernel, mesh=mesh,
        out_type=[
            jax.ShapeDtypeStruct((C, D), jnp.float32),
            jax.ShapeDtypeStruct((C,), jnp.float32),
        ],
        scratch_types=[
            pltpu.VMEM((TPW,), jnp.int32),
            pltpu.VMEM((TPW,), jnp.int32),
            pltpu.VMEM((TPW,), jnp.float32),
            pltpu.VMEM((TPW,), jnp.float32),
            pltpu.VMEM((TPW, D), jnp.float32),
            pltpu.SemaphoreType.DMA,
        ],
    )
    def scatter(x_hbm, post_hbm, wt_hbm, xs_hbm, ws_hbm,
                idx0_v, idx1_v, w0_v, w1_v, rows_v, sem):
        wid = lax.axis_index("s") * 2 + lax.axis_index("c")
        base = wid * TPW
        pltpu.sync_copy(post_hbm.at[0, pl.ds(base, TPW)], idx0_v)
        pltpu.sync_copy(post_hbm.at[1, pl.ds(base, TPW)], idx1_v)
        pltpu.sync_copy(wt_hbm.at[0, pl.ds(base, TPW)], w0_v)
        pltpu.sync_copy(wt_hbm.at[1, pl.ds(base, TPW)], w1_v)
        pltpu.sync_copy(x_hbm.at[pl.ds(base, TPW)], rows_v)
        pltpu.async_copy(rows_v, xs_hbm.at[idx0_v], sem).wait()
        pltpu.async_copy(rows_v, xs_hbm.at[idx1_v], sem).wait()
        pltpu.async_copy(w0_v, ws_hbm.at[idx0_v], sem).wait()
        pltpu.async_copy(w1_v, ws_hbm.at[idx1_v], sem).wait()

    return scatter



def _ffn_kernel(tmeta_ref, dom_ref, xs_ref, ws_ref, gu_ref, dn_ref, out_ref):
    i = pl.program_id(0)
    nact = tmeta_ref[1, 0]

    @pl.when(i < nact)
    def _body():
        xt = xs_ref[...]
        gu = lax.dot_general(xt, gu_ref[0], (((1,), (1,)), ((), ())),
                             preferred_element_type=jnp.float32)
        gate_h = gu[:, :DFF]
        up_h = gu[:, DFF:]
        h = gate_h * lax.logistic(gate_h) * up_h
        h = h * ws_ref[...]
        out_ref[...] = lax.dot_general(h, dn_ref[0], (((1,), (1,)), ((), ())),
                                       preferred_element_type=jnp.float32)


def _ffn(xs, ws2d, gate_up_proj, down_proj, tmeta, dominant_experts):
    grid_spec = pltpu.PrefetchScalarGridSpec(
        num_scalar_prefetch=2,
        grid=(NT,),
        in_specs=[
            pl.BlockSpec((TILE, D), lambda i, tm, dom: (i, 0)),
            pl.BlockSpec((TILE, 1), lambda i, tm, dom: (i, 0)),
            pl.BlockSpec((1, 2 * DFF, D), lambda i, tm, dom: (dom[tm[0, i]], 0, 0)),
            pl.BlockSpec((1, D, DFF), lambda i, tm, dom: (dom[tm[0, i]], 0, 0)),
        ],
        out_specs=pl.BlockSpec((TILE, D), lambda i, tm, dom: (i, 0)),
    )
    return pl.pallas_call(
        _ffn_kernel,
        grid_spec=grid_spec,
        out_shape=jax.ShapeDtypeStruct((C, D), jnp.float32),
        compiler_params=pltpu.CompilerParams(
            dimension_semantics=("arbitrary",),
        ),
    )(tmeta, dominant_experts, xs, ws2d, gate_up_proj, down_proj)



CHUNK = 32


def _make_combine():
    mesh = plsc.VectorSubcoreMesh(core_axis_name="c", subcore_axis_name="s")

    @functools.partial(
        pl.kernel, mesh=mesh,
        out_type=jax.ShapeDtypeStruct((S, D), jnp.float32),
        scratch_types=[
            pltpu.VMEM((CHUNK,), jnp.int32),
            pltpu.VMEM((CHUNK,), jnp.int32),
            pltpu.VMEM((CHUNK, D), jnp.float32),
            pltpu.VMEM((CHUNK, D), jnp.float32),
            pltpu.SemaphoreType.DMA,
        ],
    )
    def combine(ffn_hbm, post_hbm, out_hbm,
                idx0_v, idx1_v, r0_v, r1_v, sem):
        wid = lax.axis_index("s") * 2 + lax.axis_index("c")

        for chunk in range(TPW // CHUNK):
            base = wid * TPW + chunk * CHUNK
            pltpu.sync_copy(post_hbm.at[0, pl.ds(base, CHUNK)], idx0_v)
            pltpu.sync_copy(post_hbm.at[1, pl.ds(base, CHUNK)], idx1_v)
            pltpu.async_copy(ffn_hbm.at[idx0_v], r0_v, sem).wait()
            pltpu.async_copy(ffn_hbm.at[idx1_v], r1_v, sem).wait()

            def row_body(i, _):
                def col_body(l, _):
                    a = r0_v[i, pl.ds(l * 16, 16)]
                    b = r1_v[i, pl.ds(l * 16, 16)]
                    r0_v[i, pl.ds(l * 16, 16)] = a + b
                    return 0

                lax.fori_loop(0, D // 16, col_body, 0, unroll=False)
                return 0

            lax.fori_loop(0, CHUNK, row_body, 0, unroll=False)
            pltpu.sync_copy(r0_v, out_hbm.at[pl.ds(base, CHUNK)])

    return combine



def kernel(hidden_states, gate_weight, gate_up_proj, down_proj, merge_groups, dominant_experts):
    b, s, d = hidden_states.shape
    x = hidden_states.reshape(s, d)

    pos, w, tmeta = _router(x, gate_weight, merge_groups)
    pos_t = pos.T
    w_t = w.T

    xs, ws = _make_scatter()(x, pos_t, w_t)
    ffn = _ffn(xs, ws.reshape(C, 1), gate_up_proj, down_proj, tmeta, dominant_experts)
    out = _make_combine()(ffn, pos_t)
    return out.reshape(b, s, d)

# --- scband reference (transcript-rebuilt; emitter-appended) ---
"""Pipeline reference for scband-hcsmo-eqwen3-moe-sparse-moe-block-11536282157453 (READ-ONLY COPY).

The authoritative reference and input builder live on the scoring server;
editing this copy changes nothing except your own understanding.
"""

import jax, jax.numpy as jnp
import numpy as np

E = 8
TOP_K = 2
D_MODEL = 1024
D_FF = 768
B = 1
S = 2048
NUM_GROUPS = 4
MERGE_GROUPS = np.array([0, 0, 1, 1, 2, 2, 3, 3], dtype=np.int32)
DOMINANT_EXPERTS = np.array([0, 2, 4, 6], dtype=np.int32)


def setup_inputs(seed: int = 0) -> dict:
    key = jax.random.key(seed)
    k1, k2, k3, k4 = jax.random.split(key, 4)
    hidden_states = jax.random.normal(k1, (B, S, D_MODEL), dtype=jnp.float32)
    # gate (router) weight: F.linear weight layout [num_experts, hidden_dim]
    gate_weight = jax.random.normal(k2, (E, D_MODEL), dtype=jnp.float32) * 0.02
    # fused gate+up projection per expert: [E, 2*d_ff, d_model]
    gate_up_proj = jax.random.normal(k3, (E, 2 * D_FF, D_MODEL), dtype=jnp.float32) * 0.02
    # down projection per expert: [E, d_model, d_ff]
    down_proj = jax.random.normal(k4, (E, D_MODEL, D_FF), dtype=jnp.float32) * 0.02
    merge_groups = jnp.asarray(MERGE_GROUPS)
    dominant_experts = jnp.asarray(DOMINANT_EXPERTS)
    return {
        "hidden_states": hidden_states,
        "gate_weight": gate_weight,
        "gate_up_proj": gate_up_proj,
        "down_proj": down_proj,
        "merge_groups": merge_groups,
        "dominant_experts": dominant_experts,
    }


def reference(hidden_states, gate_weight, gate_up_proj, down_proj, merge_groups, dominant_experts):
    b, s, d = hidden_states.shape
    x = hidden_states.reshape(-1, d)
    # router: logits -> softmax (fp32) -> topk -> renormalize (norm_topk_prob=True)
    router_logits = x @ gate_weight.T
    probs = jax.nn.softmax(router_logits.astype(jnp.float32), axis=-1).astype(router_logits.dtype)
    top_vals, top_idx = jax.lax.top_k(probs, TOP_K)
    top_vals = top_vals / jnp.sum(top_vals, axis=-1, keepdims=True)
    final = jnp.zeros_like(x)
    for e in range(E):
        dom = dominant_experts[merge_groups[e]]
        # per-token routing weight for expert e (0 if not routed here)
        w_e = jnp.sum(jnp.where(top_idx == e, top_vals, jnp.zeros_like(top_vals)), axis=-1)
        gu = x @ gate_up_proj[dom].T
        gate_h, up_h = jnp.split(gu, 2, axis=-1)
        h = jax.nn.silu(gate_h) * up_h
        out = h @ down_proj[dom].T
        final = final + out * w_e[:, None]
    return final.reshape(b, s, d)

if __name__ == "__main__":
    import jax
    _d = setup_inputs()
    print(jax.jit(kernel)(*tuple(_d.values())))

</pallas_src>

<mosaic_0001>
#map = affine_map<(d0, d1) -> (0, 0)>
module attributes {stable_mosaic.version = 14 : i64} {
  func.func @combine(%arg0: i32, %arg1: i32, %arg2: memref<5120x1024xf32, #tpu.memory_space<hbm>>, %arg3: memref<8x2048xi32, #tpu.memory_space<hbm>>, %arg4: memref<2048x1024xf32, #tpu.memory_space<hbm>>, %arg5: memref<32xi32, #tpu.memory_space<vmem>>, %arg6: memref<32xi32, #tpu.memory_space<vmem>>, %arg7: memref<32x1024xf32, #tpu.memory_space<vmem>>, %arg8: memref<32x1024xf32, #tpu.memory_space<vmem>>, %arg9: memref<!tpu.dma_semaphore, #tpu.memory_space<semaphore_mem>>) attributes {dimension_semantics = [#tpu.dimension_semantics<core_parallel>, #tpu.dimension_semantics<subcore_parallel>], iteration_bounds = array<i64: 2, 16>, scalar_prefetch = 0 : i64, scratch_operands = 5 : i64, tpu.core_type = #tpu.core_type<sc_vector_subcore>, window_params = [{transform_indices = #map}, {transform_indices = #map}, {transform_indices = #map}]} {
    %mul3A = arith.constant 2 : i32
    %mul3A_0 = arith.muli %arg1, %mul3A : i32
    %add3A = arith.addi %mul3A_0, %arg0 : i32
    %mul3A_1 = arith.constant 64 : i32
    %mul3A_2 = arith.muli %add3A, %mul3A_1 : i32
    %add3A_3 = arith.constant 0 : i32
    %add3A_4 = arith.addi %mul3A_2, %add3A_3 : i32
    %run_scoped3A = arith.constant 0 : i32
    "tpu.region"() ({
      %run_scoped3A_47 = tpu.sem_alloc : memref<!tpu.dma_semaphore, #tpu.memory_space<semaphore_mem>>
      %dma_start3A_48 = tpu.memref_slice %arg3[%run_scoped3A, %add3A_4] : memref<8x2048xi32, #tpu.memory_space<hbm>> -> memref<1x32xi32, #tpu.memory_space<hbm>>
      %dma_start3A_49 = tpu.memref_squeeze %dma_start3A_48 : memref<1x32xi32, #tpu.memory_space<hbm>> -> memref<32xi32, #tpu.memory_space<hbm>>
      %dma_start3A_50 = tpu.memref_slice %arg3[%run_scoped3A, %add3A_4] : memref<8x2048xi32, #tpu.memory_space<hbm>> -> memref<1x32xi32, #tpu.memory_space<hbm>>
      %dma_start3A_51 = tpu.memref_squeeze %dma_start3A_50 : memref<1x32xi32, #tpu.memory_space<hbm>> -> memref<32xi32, #tpu.memory_space<hbm>>
      tpu.enqueue_dma source(%dma_start3A_51 : memref<32xi32, #tpu.memory_space<hbm>>) target(%arg5 : memref<32xi32, #tpu.memory_space<vmem>>) target_semaphore(%run_scoped3A_47 : memref<!tpu.dma_semaphore, #tpu.memory_space<semaphore_mem>>)
      %dma_wait3A_52 = tpu.memref_slice %arg3[%run_scoped3A, %add3A_4] : memref<8x2048xi32, #tpu.memory_space<hbm>> -> memref<1x32xi32, #tpu.memory_space<hbm>>
      %dma_wait3A_53 = tpu.memref_squeeze %dma_wait3A_52 : memref<1x32xi32, #tpu.memory_space<hbm>> -> memref<32xi32, #tpu.memory_space<hbm>>
      %dma_wait3A_54 = tpu.memref_slice %arg3[%run_scoped3A, %add3A_4] : memref<8x2048xi32, #tpu.memory_space<hbm>> -> memref<1x32xi32, #tpu.memory_space<hbm>>
      %dma_wait3A_55 = tpu.memref_squeeze %dma_wait3A_54 : memref<1x32xi32, #tpu.memory_space<hbm>> -> memref<32xi32, #tpu.memory_space<hbm>>
      tpu.wait_dma2 semaphore(%run_scoped3A_47 : memref<!tpu.dma_semaphore, #tpu.memory_space<semaphore_mem>>) src(%dma_wait3A_55 : memref<32xi32, #tpu.memory_space<hbm>>) dst(%arg5 : memref<32xi32, #tpu.memory_space<vmem>>)
      tpu.yield
    }) : () -> ()
    %run_scoped3A_5 = arith.constant 1 : i32
    "tpu.region"() ({
      %run_scoped3A_47 = tpu.sem_alloc : memref<!tpu.dma_semaphore, #tpu.memory_space<semaphore_mem>>
      %dma_start3A_48 = tpu.memref_slice %arg3[%run_scoped3A_5, %add3A_4] : memref<8x2048xi32, #tpu.memory_space<hbm>> -> memref<1x32xi32, #tpu.memory_space<hbm>>
      %dma_start3A_49 = tpu.memref_squeeze %dma_start3A_48 : memref<1x32xi32, #tpu.memory_space<hbm>> -> memref<32xi32, #tpu.memory_space<hbm>>
      %dma_start3A_50 = tpu.memref_slice %arg3[%run_scoped3A_5, %add3A_4] : memref<8x2048xi32, #tpu.memory_space<hbm>> -> memref<1x32xi32, #tpu.memory_space<hbm>>
      %dma_start3A_51 = tpu.memref_squeeze %dma_start3A_50 : memref<1x32xi32, #tpu.memory_space<hbm>> -> memref<32xi32, #tpu.memory_space<hbm>>
      tpu.enqueue_dma source(%dma_start3A_51 : memref<32xi32, #tpu.memory_space<hbm>>) target(%arg6 : memref<32xi32, #tpu.memory_space<vmem>>) target_semaphore(%run_scoped3A_47 : memref<!tpu.dma_semaphore, #tpu.memory_space<semaphore_mem>>)
      %dma_wait3A_52 = tpu.memref_slice %arg3[%run_scoped3A_5, %add3A_4] : memref<8x2048xi32, #tpu.memory_space<hbm>> -> memref<1x32xi32, #tpu.memory_space<hbm>>
      %dma_wait3A_53 = tpu.memref_squeeze %dma_wait3A_52 : memref<1x32xi32, #tpu.memory_space<hbm>> -> memref<32xi32, #tpu.memory_space<hbm>>
      %dma_wait3A_54 = tpu.memref_slice %arg3[%run_scoped3A_5, %add3A_4] : memref<8x2048xi32, #tpu.memory_space<hbm>> -> memref<1x32xi32, #tpu.memory_space<hbm>>
      %dma_wait3A_55 = tpu.memref_squeeze %dma_wait3A_54 : memref<1x32xi32, #tpu.memory_space<hbm>> -> memref<32xi32, #tpu.memory_space<hbm>>
      tpu.wait_dma2 semaphore(%run_scoped3A_47 : memref<!tpu.dma_semaphore, #tpu.memory_space<semaphore_mem>>) src(%dma_wait3A_55 : memref<32xi32, #tpu.memory_space<hbm>>) dst(%arg6 : memref<32xi32, #tpu.memory_space<vmem>>)
      tpu.yield
    }) : () -> ()
    %dma_start3A = arith.constant 0 : i32
    %dma_start3A_6 = arith.constant 0 : i32
    %dma_start3A_7 = tpu.memref_slice %arg2[%dma_start3A, %dma_start3A_6] : memref<5120x1024xf32, #tpu.memory_space<hbm>> -> memref<5120x1024xf32, #tpu.memory_space<hbm>>
    tpu.enqueue_indirect_dma source(%dma_start3A_7 : memref<5120x1024xf32, #tpu.memory_space<hbm>>) target(%arg7 : memref<32x1024xf32, #tpu.memory_space<vmem>>) offsets(%arg5 : memref<32xi32, #tpu.memory_space<vmem>>) semaphore(%arg9 : memref<!tpu.dma_semaphore, #tpu.memory_space<semaphore_mem>>)
    %dma_wait3A = arith.constant 0 : i32
    %dma_wait3A_8 = arith.constant 0 : i32
    %dma_wait3A_9 = tpu.memref_slice %arg2[%dma_wait3A, %dma_wait3A_8] : memref<5120x1024xf32, #tpu.memory_space<hbm>> -> memref<5120x1024xf32, #tpu.memory_space<hbm>>
    tpu.wait_indirect_dma semaphore(%arg9 : memref<!tpu.dma_semaphore, #tpu.memory_space<semaphore_mem>>) src(%dma_wait3A_9 : memref<5120x1024xf32, #tpu.memory_space<hbm>>) dst(%arg7 : memref<32x1024xf32, #tpu.memory_space<vmem>>)
    %dma_start3A_10 = arith.constant 0 : i32
    %dma_start3A_11 = arith.constant 0 : i32
    %dma_start3A_12 = tpu.memref_slice %arg2[%dma_start3A_10, %dma_start3A_11] : memref<5120x1024xf32, #tpu.memory_space<hbm>> -> memref<5120x1024xf32, #tpu.memory_space<hbm>>
    tpu.enqueue_indirect_dma source(%dma_start3A_12 : memref<5120x1024xf32, #tpu.memory_space<hbm>>) target(%arg8 : memref<32x1024xf32, #tpu.memory_space<vmem>>) offsets(%arg6 : memref<32xi32, #tpu.memory_space<vmem>>) semaphore(%arg9 : memref<!tpu.dma_semaphore, #tpu.memory_space<semaphore_mem>>)
    %dma_wait3A_13 = arith.constant 0 : i32
    %dma_wait3A_14 = arith.constant 0 : i32
    %dma_wait3A_15 = tpu.memref_slice %arg2[%dma_wait3A_13, %dma_wait3A_14] : memref<5120x1024xf32, #tpu.memory_space<hbm>> -> memref<5120x1024xf32, #tpu.memory_space<hbm>>
    tpu.wait_indirect_dma semaphore(%arg9 : memref<!tpu.dma_semaphore, #tpu.memory_space<semaphore_mem>>) src(%dma_wait3A_15 : memref<5120x1024xf32, #tpu.memory_space<hbm>>) dst(%arg8 : memref<32x1024xf32, #tpu.memory_space<vmem>>)
    %scan3A = arith.constant 0 : i32
    %scan3A_16 = arith.constant 0 : i32
    %scan3A_17 = arith.constant 32 : i32
    %scan3A_18 = arith.addi %scan3A_16, %scan3A_17 : i32
    %scan3A_19 = arith.constant 1 : i32
    %scan3A_20 = scf.for %scan3A_47 = %scan3A_16 to %scan3A_18 step %scan3A_19 iter_args(%scan3A_48 = %scan3A) -> (i32)  : i32 {
      %scan3A_49 = arith.constant 0 : i32
      %scan3A_50 = arith.constant 0 : i32
      %scan3A_51 = arith.constant 64 : i32
      %scan3A_52 = arith.addi %scan3A_50, %scan3A_51 : i32
      %scan3A_53 = arith.constant 1 : i32
      %scan3A_54 = scf.for %scan3A_57 = %scan3A_50 to %scan3A_52 step %scan3A_53 iter_args(%scan3A_58 = %scan3A_49) -> (i32)  : i32 {
        %mul3A_59 = arith.constant 16 : i32
        %mul3A_60 = arith.muli %scan3A_57, %mul3A_59 : i32
        %get3A = arith.index_cast %scan3A_47 : i32 to index
        %get3A_61 = arith.index_cast %mul3A_60 : i32 to index
        %get3A_62 = tpu.vector_load %arg7[%get3A, %get3A_61] {strides = array<i32>} : memref<32x1024xf32, #tpu.memory_space<vmem>>, vector<1x16xf32>,
        %get3A_63 = vector.shape_cast %get3A_62 : vector<1x16xf32> to vector<16xf32>
        %mul3A_64 = arith.constant 16 : i32
        %mul3A_65 = arith.muli %scan3A_57, %mul3A_64 : i32
        %get3A_66 = arith.index_cast %scan3A_47 : i32 to index
        %get3A_67 = arith.index_cast %mul3A_65 : i32 to index
        %get3A_68 = tpu.vector_load %arg8[%get3A_66, %get3A_67] {strides = array<i32>} : memref<32x1024xf32, #tpu.memory_space<vmem>>, vector<1x16xf32>,
        %get3A_69 = vector.shape_cast %get3A_68 : vector<1x16xf32> to vector<16xf32>
        %add3A_70 = arith.addf %get3A_63, %get3A_69 : vector<16xf32>
        %mul3A_71 = arith.constant 16 : i32
        %mul3A_72 = arith.muli %scan3A_57, %mul3A_71 : i32
        %swap3A = arith.index_cast %scan3A_47 : i32 to index
        %swap3A_73 = arith.index_cast %mul3A_72 : i32 to index
        %swap3A_74 = tpu.vector_load %arg7[%swap3A, %swap3A_73] {strides = array<i32>} : memref<32x1024xf32, #tpu.memory_space<vmem>>, vector<1x16xf32>,
        %swap3A_75 = vector.shape_cast %swap3A_74 : vector<1x16xf32> to vector<16xf32>
        %swap3A_76 = vector.shape_cast %add3A_70 : vector<16xf32> to vector<1x16xf32>
        tpu.vector_store %arg7[%swap3A, %swap3A_73], %swap3A_76 {strides = array<i32>} : memref<32x1024xf32, #tpu.memory_space<vmem>>, vector<1x16xf32>,
        %scan3A_77 = arith.constant 0 : i32
        scf.yield %scan3A_77 : i32
      }
      %scan3A_55 = arith.constant 64 : i32
      %scan3A_56 = arith.constant 0 : i32
      scf.yield %scan3A_56 : i32
    }
    %scan3A_21 = arith.constant 32 : i32
    "tpu.region"() ({
      %run_scoped3A_47 = tpu.sem_alloc : memref<!tpu.dma_semaphore, #tpu.memory_space<semaphore_mem>>
      %dma_start3A_48 = arith.constant 0 : i32
      %dma_start3A_49 = tpu.memref_slice %arg4[%add3A_4, %dma_start3A_48] : memref<2048x1024xf32, #tpu.memory_space<hbm>> -> memref<32x1024xf32, #tpu.memory_space<hbm>>
      %dma_start3A_50 = arith.constant 0 : i32
      %dma_start3A_51 = tpu.memref_slice %arg4[%add3A_4, %dma_start3A_50] : memref<2048x1024xf32, #tpu.memory_space<hbm>> -> memref<32x1024xf32, #tpu.memory_space<hbm>>
      tpu.enqueue_dma source(%arg7 : memref<32x1024xf32, #tpu.memory_space<vmem>>) target(%dma_start3A_51 : memref<32x1024xf32, #tpu.memory_space<hbm>>) target_semaphore(%run_scoped3A_47 : memref<!tpu.dma_semaphore, #tpu.memory_space<semaphore_mem>>)
      %dma_wait3A_52 = arith.constant 0 : i32
      %dma_wait3A_53 = tpu.memref_slice %arg4[%add3A_4, %dma_wait3A_52] : memref<2048x1024xf32, #tpu.memory_space<hbm>> -> memref<32x1024xf32, #tpu.memory_space<hbm>>
      %dma_wait3A_54 = arith.constant 0 : i32
      %dma_wait3A_55 = tpu.memref_slice %arg4[%add3A_4, %dma_wait3A_54] : memref<2048x1024xf32, #tpu.memory_space<hbm>> -> memref<32x1024xf32, #tpu.memory_space<hbm>>
      tpu.wait_dma2 semaphore(%run_scoped3A_47 : memref<!tpu.dma_semaphore, #tpu.memory_space<semaphore_mem>>) src(%arg7 : memref<32x1024xf32, #tpu.memory_space<vmem>>) dst(%dma_wait3A_55 : memref<32x1024xf32, #tpu.memory_space<hbm>>)
      tpu.yield
    }) : () -> ()
    %mul3A_22 = arith.constant 64 : i32
    %mul3A_23 = arith.muli %add3A, %mul3A_22 : i32
    %add3A_24 = arith.constant 32 : i32
    %add3A_25 = arith.addi %mul3A_23, %add3A_24 : i32
    %run_scoped3A_26 = arith.constant 0 : i32
    "tpu.region"() ({
      %run_scoped3A_47 = tpu.sem_alloc : memref<!tpu.dma_semaphore, #tpu.memory_space<semaphore_mem>>
      %dma_start3A_48 = tpu.memref_slice %arg3[%run_scoped3A_26, %add3A_25] : memref<8x2048xi32, #tpu.memory_space<hbm>> -> memref<1x32xi32, #tpu.memory_space<hbm>>
      %dma_start3A_49 = tpu.memref_squeeze %dma_start3A_48 : memref<1x32xi32, #tpu.memory_space<hbm>> -> memref<32xi32, #tpu.memory_space<hbm>>
      %dma_start3A_50 = tpu.memref_slice %arg3[%run_scoped3A_26, %add3A_25] : memref<8x2048xi32, #tpu.memory_space<hbm>> -> memref<1x32xi32, #tpu.memory_space<hbm>>
      %dma_start3A_51 = tpu.memref_squeeze %dma_start3A_50 : memref<1x32xi32, #tpu.memory_space<hbm>> -> memref<32xi32, #tpu.memory_space<hbm>>
      tpu.enqueue_dma source(%dma_start3A_51 : memref<32xi32, #tpu.memory_space<hbm>>) target(%arg5 : memref<32xi32, #tpu.memory_space<vmem>>) target_semaphore(%run_scoped3A_47 : memref<!tpu.dma_semaphore, #tpu.memory_space<semaphore_mem>>)
      %dma_wait3A_52 = tpu.memref_slice %arg3[%run_scoped3A_26, %add3A_25] : memref<8x2048xi32, #tpu.memory_space<hbm>> -> memref<1x32xi32, #tpu.memory_space<hbm>>
      %dma_wait3A_53 = tpu.memref_squeeze %dma_wait3A_52 : memref<1x32xi32, #tpu.memory_space<hbm>> -> memref<32xi32, #tpu.memory_space<hbm>>
      %dma_wait3A_54 = tpu.memref_slice %arg3[%run_scoped3A_26, %add3A_25] : memref<8x2048xi32, #tpu.memory_space<hbm>> -> memref<1x32xi32, #tpu.memory_space<hbm>>
      %dma_wait3A_55 = tpu.memref_squeeze %dma_wait3A_54 : memref<1x32xi32, #tpu.memory_space<hbm>> -> memref<32xi32, #tpu.memory_space<hbm>>
      tpu.wait_dma2 semaphore(%run_scoped3A_47 : memref<!tpu.dma_semaphore, #tpu.memory_space<semaphore_mem>>) src(%dma_wait3A_55 : memref<32xi32, #tpu.memory_space<hbm>>) dst(%arg5 : memref<32xi32, #tpu.memory_space<vmem>>)
      tpu.yield
    }) : () -> ()
    %run_scoped3A_27 = arith.constant 1 : i32
    "tpu.region"() ({
      %run_scoped3A_47 = tpu.sem_alloc : memref<!tpu.dma_semaphore, #tpu.memory_space<semaphore_mem>>
      %dma_start3A_48 = tpu.memref_slice %arg3[%run_scoped3A_27, %add3A_25] : memref<8x2048xi32, #tpu.memory_space<hbm>> -> memref<1x32xi32, #tpu.memory_space<hbm>>
      %dma_start3A_49 = tpu.memref_squeeze %dma_start3A_48 : memref<1x32xi32, #tpu.memory_space<hbm>> -> memref<32xi32, #tpu.memory_space<hbm>>
      %dma_start3A_50 = tpu.memref_slice %arg3[%run_scoped3A_27, %add3A_25] : memref<8x2048xi32, #tpu.memory_space<hbm>> -> memref<1x32xi32, #tpu.memory_space<hbm>>
      %dma_start3A_51 = tpu.memref_squeeze %dma_start3A_50 : memref<1x32xi32, #tpu.memory_space<hbm>> -> memref<32xi32, #tpu.memory_space<hbm>>
      tpu.enqueue_dma source(%dma_start3A_51 : memref<32xi32, #tpu.memory_space<hbm>>) target(%arg6 : memref<32xi32, #tpu.memory_space<vmem>>) target_semaphore(%run_scoped3A_47 : memref<!tpu.dma_semaphore, #tpu.memory_space<semaphore_mem>>)
      %dma_wait3A_52 = tpu.memref_slice %arg3[%run_scoped3A_27, %add3A_25] : memref<8x2048xi32, #tpu.memory_space<hbm>> -> memref<1x32xi32, #tpu.memory_space<hbm>>
      %dma_wait3A_53 = tpu.memref_squeeze %dma_wait3A_52 : memref<1x32xi32, #tpu.memory_space<hbm>> -> memref<32xi32, #tpu.memory_space<hbm>>
      %dma_wait3A_54 = tpu.memref_slice %arg3[%run_scoped3A_27, %add3A_25] : memref<8x2048xi32, #tpu.memory_space<hbm>> -> memref<1x32xi32, #tpu.memory_space<hbm>>
      %dma_wait3A_55 = tpu.memref_squeeze %dma_wait3A_54 : memref<1x32xi32, #tpu.memory_space<hbm>> -> memref<32xi32, #tpu.memory_space<hbm>>
      tpu.wait_dma2 semaphore(%run_scoped3A_47 : memref<!tpu.dma_semaphore, #tpu.memory_space<semaphore_mem>>) src(%dma_wait3A_55 : memref<32xi32, #tpu.memory_space<hbm>>) dst(%arg6 : memref<32xi32, #tpu.memory_space<vmem>>)
      tpu.yield
    }) : () -> ()
    %dma_start3A_28 = arith.constant 0 : i32
    %dma_start3A_29 = arith.constant 0 : i32
    %dma_start3A_30 = tpu.memref_slice %arg2[%dma_start3A_28, %dma_start3A_29] : memref<5120x1024xf32, #tpu.memory_space<hbm>> -> memref<5120x1024xf32, #tpu.memory_space<hbm>>
    tpu.enqueue_indirect_dma source(%dma_start3A_30 : memref<5120x1024xf32, #tpu.memory_space<hbm>>) target(%arg7 : memref<32x1024xf32, #tpu.memory_space<vmem>>) offsets(%arg5 : memref<32xi32, #tpu.memory_space<vmem>>) semaphore(%arg9 : memref<!tpu.dma_semaphore, #tpu.memory_space<semaphore_mem>>)
    %dma_wait3A_31 = arith.constant 0 : i32
    %dma_wait3A_32 = arith.constant 0 : i32
    %dma_wait3A_33 = tpu.memref_slice %arg2[%dma_wait3A_31, %dma_wait3A_32] : memref<5120x1024xf32, #tpu.memory_space<hbm>> -> memref<5120x1024xf32, #tpu.memory_space<hbm>>
    tpu.wait_indirect_dma semaphore(%arg9 : memref<!tpu.dma_semaphore, #tpu.memory_space<semaphore_mem>>) src(%dma_wait3A_33 : memref<5120x1024xf32, #tpu.memory_space<hbm>>) dst(%arg7 : memref<32x1024xf32, #tpu.memory_space<vmem>>)
    %dma_start3A_34 = arith.constant 0 : i32
    %dma_start3A_35 = arith.constant 0 : i32
    %dma_start3A_36 = tpu.memref_slice %arg2[%dma_start3A_34, %dma_start3A_35] : memref<5120x1024xf32, #tpu.memory_space<hbm>> -> memref<5120x1024xf32, #tpu.memory_space<hbm>>
    tpu.enqueue_indirect_dma source(%dma_start3A_36 : memref<5120x1024xf32, #tpu.memory_space<hbm>>) target(%arg8 : memref<32x1024xf32, #tpu.memory_space<vmem>>) offsets(%arg6 : memref<32xi32, #tpu.memory_space<vmem>>) semaphore(%arg9 : memref<!tpu.dma_semaphore, #tpu.memory_space<semaphore_mem>>)
    %dma_wait3A_37 = arith.constant 0 : i32
    %dma_wait3A_38 = arith.constant 0 : i32
    %dma_wait3A_39 = tpu.memref_slice %arg2[%dma_wait3A_37, %dma_wait3A_38] : memref<5120x1024xf32, #tpu.memory_space<hbm>> -> memref<5120x1024xf32, #tpu.memory_space<hbm>>
    tpu.wait_indirect_dma semaphore(%arg9 : memref<!tpu.dma_semaphore, #tpu.memory_space<semaphore_mem>>) src(%dma_wait3A_39 : memref<5120x1024xf32, #tpu.memory_space<hbm>>) dst(%arg8 : memref<32x1024xf32, #tpu.memory_space<vmem>>)
    %scan3A_40 = arith.constant 0 : i32
    %scan3A_41 = arith.constant 0 : i32
    %scan3A_42 = arith.constant 32 : i32
    %scan3A_43 = arith.addi %scan3A_41, %scan3A_42 : i32
    %scan3A_44 = arith.constant 1 : i32
    %scan3A_45 = scf.for %scan3A_47 = %scan3A_41 to %scan3A_43 step %scan3A_44 iter_args(%scan3A_48 = %scan3A_40) -> (i32)  : i32 {
      %scan3A_49 = arith.constant 0 : i32
      %scan3A_50 = arith.constant 0 : i32
      %scan3A_51 = arith.constant 64 : i32
      %scan3A_52 = arith.addi %scan3A_50, %scan3A_51 : i32
      %scan3A_53 = arith.constant 1 : i32
      %scan3A_54 = scf.for %scan3A_57 = %scan3A_50 to %scan3A_52 step %scan3A_53 iter_args(%scan3A_58 = %scan3A_49) -> (i32)  : i32 {
        %mul3A_59 = arith.constant 16 : i32
        %mul3A_60 = arith.muli %scan3A_57, %mul3A_59 : i32
        %get3A = arith.index_cast %scan3A_47 : i32 to index
        %get3A_61 = arith.index_cast %mul3A_60 : i32 to index
        %get3A_62 = tpu.vector_load %arg7[%get3A, %get3A_61] {strides = array<i32>} : memref<32x1024xf32, #tpu.memory_space<vmem>>, vector<1x16xf32>,
        %get3A_63 = vector.shape_cast %get3A_62 : vector<1x16xf32> to vector<16xf32>
        %mul3A_64 = arith.constant 16 : i32
        %mul3A_65 = arith.muli %scan3A_57, %mul3A_64 : i32
        %get3A_66 = arith.index_cast %scan3A_47 : i32 to index
        %get3A_67 = arith.index_cast %mul3A_65 : i32 to index
        %get3A_68 = tpu.vector_load %arg8[%get3A_66, %get3A_67] {strides = array<i32>} : memref<32x1024xf32, #tpu.memory_space<vmem>>, vector<1x16xf32>,
        %get3A_69 = vector.shape_cast %get3A_68 : vector<1x16xf32> to vector<16xf32>
        %add3A_70 = arith.addf %get3A_63, %get3A_69 : vector<16xf32>
        %mul3A_71 = arith.constant 16 : i32
        %mul3A_72 = arith.muli %scan3A_57, %mul3A_71 : i32
        %swap3A = arith.index_cast %scan3A_47 : i32 to index
        %swap3A_73 = arith.index_cast %mul3A_72 : i32 to index
        %swap3A_74 = tpu.vector_load %arg7[%swap3A, %swap3A_73] {strides = array<i32>} : memref<32x1024xf32, #tpu.memory_space<vmem>>, vector<1x16xf32>,
        %swap3A_75 = vector.shape_cast %swap3A_74 : vector<1x16xf32> to vector<16xf32>
        %swap3A_76 = vector.shape_cast %add3A_70 : vector<16xf32> to vector<1x16xf32>
        tpu.vector_store %arg7[%swap3A, %swap3A_73], %swap3A_76 {strides = array<i32>} : memref<32x1024xf32, #tpu.memory_space<vmem>>, vector<1x16xf32>,
        %scan3A_77 = arith.constant 0 : i32
        scf.yield %scan3A_77 : i32
      }
      %scan3A_55 = arith.constant 64 : i32
      %scan3A_56 = arith.constant 0 : i32
      scf.yield %scan3A_56 : i32
    }
    %scan3A_46 = arith.constant 32 : i32
    "tpu.region"() ({
      %run_scoped3A_47 = tpu.sem_alloc : memref<!tpu.dma_semaphore, #tpu.memory_space<semaphore_mem>>
      %dma_start3A_48 = arith.constant 0 : i32
      %dma_start3A_49 = tpu.memref_slice %arg4[%add3A_25, %dma_start3A_48] : memref<2048x1024xf32, #tpu.memory_space<hbm>> -> memref<32x1024xf32, #tpu.memory_space<hbm>>
      %dma_start3A_50 = arith.constant 0 : i32
      %dma_start3A_51 = tpu.memref_slice %arg4[%add3A_25, %dma_start3A_50] : memref<2048x1024xf32, #tpu.memory_space<hbm>> -> memref<32x1024xf32, #tpu.memory_space<hbm>>
      tpu.enqueue_dma source(%arg7 : memref<32x1024xf32, #tpu.memory_space<vmem>>) target(%dma_start3A_51 : memref<32x1024xf32, #tpu.memory_space<hbm>>) target_semaphore(%run_scoped3A_47 : memref<!tpu.dma_semaphore, #tpu.memory_space<semaphore_mem>>)
      %dma_wait3A_52 = arith.constant 0 : i32
      %dma_wait3A_53 = tpu.memref_slice %arg4[%add3A_25, %dma_wait3A_52] : memref<2048x1024xf32, #tpu.memory_space<hbm>> -> memref<32x1024xf32, #tpu.memory_space<hbm>>
      %dma_wait3A_54 = arith.constant 0 : i32
      %dma_wait3A_55 = tpu.memref_slice %arg4[%add3A_25, %dma_wait3A_54] : memref<2048x1024xf32, #tpu.memory_space<hbm>> -> memref<32x1024xf32, #tpu.memory_space<hbm>>
      tpu.wait_dma2 semaphore(%run_scoped3A_47 : memref<!tpu.dma_semaphore, #tpu.memory_space<semaphore_mem>>) src(%arg7 : memref<32x1024xf32, #tpu.memory_space<vmem>>) dst(%dma_wait3A_55 : memref<32x1024xf32, #tpu.memory_space<hbm>>)
      tpu.yield
    }) : () -> ()
    return
  }
}

#map = affine_map<(d0, d1) -> (0, 0)>
#map1 = affine_map<(d0, d1) -> (0)>
module attributes {stable_mosaic.version = 14 : i64} {
  func.func @scatter(%arg0: i32, %arg1: i32, %arg2: memref<2048x1024xf32, #tpu.memory_space<hbm>>, %arg3: memref<8x2048xi32, #tpu.memory_space<hbm>>, %arg4: memref<8x2048xf32, #tpu.memory_space<hbm>>, %arg5: memref<5120x1024xf32, #tpu.memory_space<hbm>>, %arg6: memref<5120xf32, #tpu.memory_space<hbm>>, %arg7: memref<64xi32, #tpu.memory_space<vmem>>, %arg8: memref<64xi32, #tpu.memory_space<vmem>>, %arg9: memref<64xf32, #tpu.memory_space<vmem>>, %arg10: memref<64xf32, #tpu.memory_space<vmem>>, %arg11: memref<64x1024xf32, #tpu.memory_space<vmem>>, %arg12: memref<!tpu.dma_semaphore, #tpu.memory_space<semaphore_mem>>) attributes {dimension_semantics = [#tpu.dimension_semantics<core_parallel>, #tpu.dimension_semantics<subcore_parallel>], iteration_bounds = array<i64: 2, 16>, scalar_prefetch = 0 : i64, scratch_operands = 6 : i64, tpu.core_type = #tpu.core_type<sc_vector_subcore>, window_params = [{transform_indices = #map}, {transform_indices = #map}, {transform_indices = #map}, {transform_indices = #map}, {transform_indices = #map1}]} {
    %mul3A = arith.constant 2 : i32
    %mul3A_0 = arith.muli %arg1, %mul3A : i32
    %add3A = arith.addi %mul3A_0, %arg0 : i32
    %mul3A_1 = arith.constant 64 : i32
    %mul3A_2 = arith.muli %add3A, %mul3A_1 : i32
    %run_scoped3A = arith.constant 0 : i32
    "tpu.region"() ({
      %run_scoped3A_24 = tpu.sem_alloc : memref<!tpu.dma_semaphore, #tpu.memory_space<semaphore_mem>>
      %dma_start3A_25 = tpu.memref_slice %arg3[%run_scoped3A, %mul3A_2] : memref<8x2048xi32, #tpu.memory_space<hbm>> -> memref<1x64xi32, #tpu.memory_space<hbm>>
      %dma_start3A_26 = tpu.memref_squeeze %dma_start3A_25 : memref<1x64xi32, #tpu.memory_space<hbm>> -> memref<64xi32, #tpu.memory_space<hbm>>
      %dma_start3A_27 = tpu.memref_slice %arg3[%run_scoped3A, %mul3A_2] : memref<8x2048xi32, #tpu.memory_space<hbm>> -> memref<1x64xi32, #tpu.memory_space<hbm>>
      %dma_start3A_28 = tpu.memref_squeeze %dma_start3A_27 : memref<1x64xi32, #tpu.memory_space<hbm>> -> memref<64xi32, #tpu.memory_space<hbm>>
      tpu.enqueue_dma source(%dma_start3A_28 : memref<64xi32, #tpu.memory_space<hbm>>) target(%arg7 : memref<64xi32, #tpu.memory_space<vmem>>) target_semaphore(%run_scoped3A_24 : memref<!tpu.dma_semaphore, #tpu.memory_space<semaphore_mem>>)
      %dma_wait3A_29 = tpu.memref_slice %arg3[%run_scoped3A, %mul3A_2] : memref<8x2048xi32, #tpu.memory_space<hbm>> -> memref<1x64xi32, #tpu.memory_space<hbm>>
      %dma_wait3A_30 = tpu.memref_squeeze %dma_wait3A_29 : memref<1x64xi32, #tpu.memory_space<hbm>> -> memref<64xi32, #tpu.memory_space<hbm>>
      %dma_wait3A_31 = tpu.memref_slice %arg3[%run_scoped3A, %mul3A_2] : memref<8x2048xi32, #tpu.memory_space<hbm>> -> memref<1x64xi32, #tpu.memory_space<hbm>>
      %dma_wait3A_32 = tpu.memref_squeeze %dma_wait3A_31 : memref<1x64xi32, #tpu.memory_space<hbm>> -> memref<64xi32, #tpu.memory_space<hbm>>
      tpu.wait_dma2 semaphore(%run_scoped3A_24 : memref<!tpu.dma_semaphore, #tpu.memory_space<semaphore_mem>>) src(%dma_wait3A_32 : memref<64xi32, #tpu.memory_space<hbm>>) dst(%arg7 : memref<64xi32, #tpu.memory_space<vmem>>)
      tpu.yield
    }) : () -> ()
    %run_scoped3A_3 = arith.constant 1 : i32
    "tpu.region"() ({
      %run_scoped3A_24 = tpu.sem_alloc : memref<!tpu.dma_semaphore, #tpu.memory_space<semaphore_mem>>
      %dma_start3A_25 = tpu.memref_slice %arg3[%run_scoped3A_3, %mul3A_2] : memref<8x2048xi32, #tpu.memory_space<hbm>> -> memref<1x64xi32, #tpu.memory_space<hbm>>
      %dma_start3A_26 = tpu.memref_squeeze %dma_start3A_25 : memref<1x64xi32, #tpu.memory_space<hbm>> -> memref<64xi32, #tpu.memory_space<hbm>>
      %dma_start3A_27 = tpu.memref_slice %arg3[%run_scoped3A_3, %mul3A_2] : memref<8x2048xi32, #tpu.memory_space<hbm>> -> memref<1x64xi32, #tpu.memory_space<hbm>>
      %dma_start3A_28 = tpu.memref_squeeze %dma_start3A_27 : memref<1x64xi32, #tpu.memory_space<hbm>> -> memref<64xi32, #tpu.memory_space<hbm>>
      tpu.enqueue_dma source(%dma_start3A_28 : memref<64xi32, #tpu.memory_space<hbm>>) target(%arg8 : memref<64xi32, #tpu.memory_space<vmem>>) target_semaphore(%run_scoped3A_24 : memref<!tpu.dma_semaphore, #tpu.memory_space<semaphore_mem>>)
      %dma_wait3A_29 = tpu.memref_slice %arg3[%run_scoped3A_3, %mul3A_2] : memref<8x2048xi32, #tpu.memory_space<hbm>> -> memref<1x64xi32, #tpu.memory_space<hbm>>
      %dma_wait3A_30 = tpu.memref_squeeze %dma_wait3A_29 : memref<1x64xi32, #tpu.memory_space<hbm>> -> memref<64xi32, #tpu.memory_space<hbm>>
      %dma_wait3A_31 = tpu.memref_slice %arg3[%run_scoped3A_3, %mul3A_2] : memref<8x2048xi32, #tpu.memory_space<hbm>> -> memref<1x64xi32, #tpu.memory_space<hbm>>
      %dma_wait3A_32 = tpu.memref_squeeze %dma_wait3A_31 : memref<1x64xi32, #tpu.memory_space<hbm>> -> memref<64xi32, #tpu.memory_space<hbm>>
      tpu.wait_dma2 semaphore(%run_scoped3A_24 : memref<!tpu.dma_semaphore, #tpu.memory_space<semaphore_mem>>) src(%dma_wait3A_32 : memref<64xi32, #tpu.memory_space<hbm>>) dst(%arg8 : memref<64xi32, #tpu.memory_space<vmem>>)
      tpu.yield
    }) : () -> ()
    %run_scoped3A_4 = arith.constant 0 : i32
    "tpu.region"() ({
      %run_scoped3A_24 = tpu.sem_alloc : memref<!tpu.dma_semaphore, #tpu.memory_space<semaphore_mem>>
      %dma_start3A_25 = tpu.memref_slice %arg4[%run_scoped3A_4, %mul3A_2] : memref<8x2048xf32, #tpu.memory_space<hbm>> -> memref<1x64xf32, #tpu.memory_space<hbm>>
      %dma_start3A_26 = tpu.memref_squeeze %dma_start3A_25 : memref<1x64xf32, #tpu.memory_space<hbm>> -> memref<64xf32, #tpu.memory_space<hbm>>
      %dma_start3A_27 = tpu.memref_slice %arg4[%run_scoped3A_4, %mul3A_2] : memref<8x2048xf32, #tpu.memory_space<hbm>> -> memref<1x64xf32, #tpu.memory_space<hbm>>
      %dma_start3A_28 = tpu.memref_squeeze %dma_start3A_27 : memref<1x64xf32, #tpu.memory_space<hbm>> -> memref<64xf32, #tpu.memory_space<hbm>>
      tpu.enqueue_dma source(%dma_start3A_28 : memref<64xf32, #tpu.memory_space<hbm>>) target(%arg9 : memref<64xf32, #tpu.memory_space<vmem>>) target_semaphore(%run_scoped3A_24 : memref<!tpu.dma_semaphore, #tpu.memory_space<semaphore_mem>>)
      %dma_wait3A_29 = tpu.memref_slice %arg4[%run_scoped3A_4, %mul3A_2] : memref<8x2048xf32, #tpu.memory_space<hbm>> -> memref<1x64xf32, #tpu.memory_space<hbm>>
      %dma_wait3A_30 = tpu.memref_squeeze %dma_wait3A_29 : memref<1x64xf32, #tpu.memory_space<hbm>> -> memref<64xf32, #tpu.memory_space<hbm>>
      %dma_wait3A_31 = tpu.memref_slice %arg4[%run_scoped3A_4, %mul3A_2] : memref<8x2048xf32, #tpu.memory_space<hbm>> -> memref<1x64xf32, #tpu.memory_space<hbm>>
      %dma_wait3A_32 = tpu.memref_squeeze %dma_wait3A_31 : memref<1x64xf32, #tpu.memory_space<hbm>> -> memref<64xf32, #tpu.memory_space<hbm>>
      tpu.wait_dma2 semaphore(%run_scoped3A_24 : memref<!tpu.dma_semaphore, #tpu.memory_space<semaphore_mem>>) src(%dma_wait3A_32 : memref<64xf32, #tpu.memory_space<hbm>>) dst(%arg9 : memref<64xf32, #tpu.memory_space<vmem>>)
      tpu.yield
    }) : () -> ()
    %run_scoped3A_5 = arith.constant 1 : i32
    "tpu.region"() ({
      %run_scoped3A_24 = tpu.sem_alloc : memref<!tpu.dma_semaphore, #tpu.memory_space<semaphore_mem>>
      %dma_start3A_25 = tpu.memref_slice %arg4[%run_scoped3A_5, %mul3A_2] : memref<8x2048xf32, #tpu.memory_space<hbm>> -> memref<1x64xf32, #tpu.memory_space<hbm>>
      %dma_start3A_26 = tpu.memref_squeeze %dma_start3A_25 : memref<1x64xf32, #tpu.memory_space<hbm>> -> memref<64xf32, #tpu.memory_space<hbm>>
      %dma_start3A_27 = tpu.memref_slice %arg4[%run_scoped3A_5, %mul3A_2] : memref<8x2048xf32, #tpu.memory_space<hbm>> -> memref<1x64xf32, #tpu.memory_space<hbm>>
      %dma_start3A_28 = tpu.memref_squeeze %dma_start3A_27 : memref<1x64xf32, #tpu.memory_space<hbm>> -> memref<64xf32, #tpu.memory_space<hbm>>
      tpu.enqueue_dma source(%dma_start3A_28 : memref<64xf32, #tpu.memory_space<hbm>>) target(%arg10 : memref<64xf32, #tpu.memory_space<vmem>>) target_semaphore(%run_scoped3A_24 : memref<!tpu.dma_semaphore, #tpu.memory_space<semaphore_mem>>)
      %dma_wait3A_29 = tpu.memref_slice %arg4[%run_scoped3A_5, %mul3A_2] : memref<8x2048xf32, #tpu.memory_space<hbm>> -> memref<1x64xf32, #tpu.memory_space<hbm>>
      %dma_wait3A_30 = tpu.memref_squeeze %dma_wait3A_29 : memref<1x64xf32, #tpu.memory_space<hbm>> -> memref<64xf32, #tpu.memory_space<hbm>>
      %dma_wait3A_31 = tpu.memref_slice %arg4[%run_scoped3A_5, %mul3A_2] : memref<8x2048xf32, #tpu.memory_space<hbm>> -> memref<1x64xf32, #tpu.memory_space<hbm>>
      %dma_wait3A_32 = tpu.memref_squeeze %dma_wait3A_31 : memref<1x64xf32, #tpu.memory_space<hbm>> -> memref<64xf32, #tpu.memory_space<hbm>>
      tpu.wait_dma2 semaphore(%run_scoped3A_24 : memref<!tpu.dma_semaphore, #tpu.memory_space<semaphore_mem>>) src(%dma_wait3A_32 : memref<64xf32, #tpu.memory_space<hbm>>) dst(%arg10 : memref<64xf32, #tpu.memory_space<vmem>>)
      tpu.yield
    }) : () -> ()
    "tpu.region"() ({
      %run_scoped3A_24 = tpu.sem_alloc : memref<!tpu.dma_semaphore, #tpu.memory_space<semaphore_mem>>
      %dma_start3A_25 = arith.constant 0 : i32
      %dma_start3A_26 = tpu.memref_slice %arg2[%mul3A_2, %dma_start3A_25] : memref<2048x1024xf32, #tpu.memory_space<hbm>> -> memref<64x1024xf32, #tpu.memory_space<hbm>>
      %dma_start3A_27 = arith.constant 0 : i32
      %dma_start3A_28 = tpu.memref_slice %arg2[%mul3A_2, %dma_start3A_27] : memref<2048x1024xf32, #tpu.memory_space<hbm>> -> memref<64x1024xf32, #tpu.memory_space<hbm>>
      tpu.enqueue_dma source(%dma_start3A_28 : memref<64x1024xf32, #tpu.memory_space<hbm>>) target(%arg11 : memref<64x1024xf32, #tpu.memory_space<vmem>>) target_semaphore(%run_scoped3A_24 : memref<!tpu.dma_semaphore, #tpu.memory_space<semaphore_mem>>)
      %dma_wait3A_29 = arith.constant 0 : i32
      %dma_wait3A_30 = tpu.memref_slice %arg2[%mul3A_2, %dma_wait3A_29] : memref<2048x1024xf32, #tpu.memory_space<hbm>> -> memref<64x1024xf32, #tpu.memory_space<hbm>>
      %dma_wait3A_31 = arith.constant 0 : i32
      %dma_wait3A_32 = tpu.memref_slice %arg2[%mul3A_2, %dma_wait3A_31] : memref<2048x1024xf32, #tpu.memory_space<hbm>> -> memref<64x1024xf32, #tpu.memory_space<hbm>>
      tpu.wait_dma2 semaphore(%run_scoped3A_24 : memref<!tpu.dma_semaphore, #tpu.memory_space<semaphore_mem>>) src(%dma_wait3A_32 : memref<64x1024xf32, #tpu.memory_space<hbm>>) dst(%arg11 : memref<64x1024xf32, #tpu.memory_space<vmem>>)
      tpu.yield
    }) : () -> ()
    %dma_start3A = arith.constant 0 : i32
    %dma_start3A_6 = arith.constant 0 : i32
    %dma_start3A_7 = tpu.memref_slice %arg5[%dma_start3A, %dma_start3A_6] : memref<5120x1024xf32, #tpu.memory_space<hbm>> -> memref<5120x1024xf32, #tpu.memory_space<hbm>>
    tpu.enqueue_indirect_dma source(%arg11 : memref<64x1024xf32, #tpu.memory_space<vmem>>) target(%dma_start3A_7 : memref<5120x1024xf32, #tpu.memory_space<hbm>>) offsets(%arg7 : memref<64xi32, #tpu.memory_space<vmem>>) semaphore(%arg12 : memref<!tpu.dma_semaphore, #tpu.memory_space<semaphore_mem>>)
    %dma_wait3A = arith.constant 0 : i32
    %dma_wait3A_8 = arith.constant 0 : i32
    %dma_wait3A_9 = tpu.memref_slice %arg5[%dma_wait3A, %dma_wait3A_8] : memref<5120x1024xf32, #tpu.memory_space<hbm>> -> memref<5120x1024xf32, #tpu.memory_space<hbm>>
    tpu.wait_indirect_dma semaphore(%arg12 : memref<!tpu.dma_semaphore, #tpu.memory_space<semaphore_mem>>) src(%arg11 : memref<64x1024xf32, #tpu.memory_space<vmem>>) dst(%dma_wait3A_9 : memref<5120x1024xf32, #tpu.memory_space<hbm>>)
    %dma_start3A_10 = arith.constant 0 : i32
    %dma_start3A_11 = arith.constant 0 : i32
    %dma_start3A_12 = tpu.memref_slice %arg5[%dma_start3A_10, %dma_start3A_11] : memref<5120x1024xf32, #tpu.memory_space<hbm>> -> memref<5120x1024xf32, #tpu.memory_space<hbm>>
    tpu.enqueue_indirect_dma source(%arg11 : memref<64x1024xf32, #tpu.memory_space<vmem>>) target(%dma_start3A_12 : memref<5120x1024xf32, #tpu.memory_space<hbm>>) offsets(%arg8 : memref<64xi32, #tpu.memory_space<vmem>>) semaphore(%arg12 : memref<!tpu.dma_semaphore, #tpu.memory_space<semaphore_mem>>)
    %dma_wait3A_13 = arith.constant 0 : i32
    %dma_wait3A_14 = arith.constant 0 : i32
    %dma_wait3A_15 = tpu.memref_slice %arg5[%dma_wait3A_13, %dma_wait3A_14] : memref<5120x1024xf32, #tpu.memory_space<hbm>> -> memref<5120x1024xf32, #tpu.memory_space<hbm>>
    tpu.wait_indirect_dma semaphore(%arg12 : memref<!tpu.dma_semaphore, #tpu.memory_space<semaphore_mem>>) src(%arg11 : memref<64x1024xf32, #tpu.memory_space<vmem>>) dst(%dma_wait3A_15 : memref<5120x1024xf32, #tpu.memory_space<hbm>>)
    %dma_start3A_16 = arith.constant 0 : i32
    %dma_start3A_17 = tpu.memref_slice %arg6[%dma_start3A_16] : memref<5120xf32, #tpu.memory_space<hbm>> -> memref<5120xf32, #tpu.memory_space<hbm>>
    tpu.enqueue_indirect_dma source(%arg9 : memref<64xf32, #tpu.memory_space<vmem>>) target(%dma_start3A_17 : memref<5120xf32, #tpu.memory_space<hbm>>) offsets(%arg7 : memref<64xi32, #tpu.memory_space<vmem>>) semaphore(%arg12 : memref<!tpu.dma_semaphore, #tpu.memory_space<semaphore_mem>>)
    %dma_wait3A_18 = arith.constant 0 : i32
    %dma_wait3A_19 = tpu.memref_slice %arg6[%dma_wait3A_18] : memref<5120xf32, #tpu.memory_space<hbm>> -> memref<5120xf32, #tpu.memory_space<hbm>>
    tpu.wait_indirect_dma semaphore(%arg12 : memref<!tpu.dma_semaphore, #tpu.memory_space<semaphore_mem>>) src(%arg9 : memref<64xf32, #tpu.memory_space<vmem>>) dst(%dma_wait3A_19 : memref<5120xf32, #tpu.memory_space<hbm>>)
    %dma_start3A_20 = arith.constant 0 : i32
    %dma_start3A_21 = tpu.memref_slice %arg6[%dma_start3A_20] : memref<5120xf32, #tpu.memory_space<hbm>> -> memref<5120xf32, #tpu.memory_space<hbm>>
    tpu.enqueue_indirect_dma source(%arg10 : memref<64xf32, #tpu.memory_space<vmem>>) target(%dma_start3A_21 : memref<5120xf32, #tpu.memory_space<hbm>>) offsets(%arg8 : memref<64xi32, #tpu.memory_space<vmem>>) semaphore(%arg12 : memref<!tpu.dma_semaphore, #tpu.memory_space<semaphore_mem>>)
    %dma_wait3A_22 = arith.constant 0 : i32
    %dma_wait3A_23 = tpu.memref_slice %arg6[%dma_wait3A_22] : memref<5120xf32, #tpu.memory_space<hbm>> -> memref<5120xf32, #tpu.memory_space<hbm>>
    tpu.wait_indirect_dma semaphore(%arg12 : memref<!tpu.dma_semaphore, #tpu.memory_space<semaphore_mem>>) src(%arg10 : memref<64xf32, #tpu.memory_space<vmem>>) dst(%dma_wait3A_23 : memref<5120xf32, #tpu.memory_space<hbm>>)
    return
  }
}

module attributes {stable_mosaic.version = 14 : i64} {
  func.func @_router_kernel(%arg0: i32, %arg1: memref<8xi32, #tpu.memory_space<smem>>, %arg2: memref<2048x1024xf32, #tpu.memory_space<vmem>>, %arg3: memref<8x1024xf32, #tpu.memory_space<vmem>>, %arg4: memref<2048x8xi32, #tpu.memory_space<vmem>>, %arg5: memref<2048x8xf32, #tpu.memory_space<vmem>>, %arg6: memref<8x128xi32, #tpu.memory_space<vmem>>) attributes {dimension_semantics = [#tpu.dimension_semantics<arbitrary>], iteration_bounds = array<i64: 1>, scalar_prefetch = 1 : i64, scratch_operands = 0 : i64, tpu.core_type = #tpu.core_type<tc>, window_params = [{pipeline_mode = #tpu.pipeline_mode<synchronous>, transform_indices = @transform_0, window_bounds = array<i64: 2048, 1024>}, {pipeline_mode = #tpu.pipeline_mode<synchronous>, transform_indices = @transform_1, window_bounds = array<i64: 8, 1024>}, {pipeline_mode = #tpu.pipeline_mode<synchronous>, transform_indices = @transform_2, window_bounds = array<i64: 2048, 8>}, {pipeline_mode = #tpu.pipeline_mode<synchronous>, transform_indices = @transform_3, window_bounds = array<i64: 2048, 8>}, {pipeline_mode = #tpu.pipeline_mode<synchronous>, transform_indices = @transform_4, window_bounds = array<i64: 8, 128>}]} {
    %get3A = arith.constant 0 : index
    %get3A_0 = arith.constant 0 : index
    %get3A_1 = vector.load %arg2[%get3A, %get3A_0] : memref<2048x1024xf32, #tpu.memory_space<vmem>>, vector<2048x1024xf32>
    %get3A_2 = arith.constant 0 : index
    %get3A_3 = arith.constant 0 : index
    %get3A_4 = vector.load %arg3[%get3A_2, %get3A_3] : memref<8x1024xf32, #tpu.memory_space<vmem>>, vector<8x1024xf32>
    %dot_general3A = arith.constant dense<0.000000e+00> : vector<2048x8xf32>
    %dot_general3A_5 = tpu.matmul %get3A_1, %get3A_4, %dot_general3A {dimension_numbers = #tpu.dot_dimension_numbers<[1], [1], [0], [0], [0, 0, 1, 0], [], []>, transpose_lhs_hint = false} : vector<2048x1024xf32>, vector<8x1024xf32>, vector<2048x8xf32> -> vector<2048x8xf32>
    %reduce_max3A = arith.constant dense<0xFF800000> : vector<2048xf32>
    %reduce_max3A_6 = vector.multi_reduction <maximumf>, %dot_general3A_5, %reduce_max3A [1] : vector<2048x8xf32> to vector<2048xf32>
    %broadcast_in_dim3A = vector.shape_cast %reduce_max3A_6 : vector<2048xf32> to vector<2048x1xf32>
    %sub3A = vector.broadcast %broadcast_in_dim3A : vector<2048x1xf32> to vector<2048x8xf32>
    %sub3A_7 = arith.subf %dot_general3A_5, %sub3A : vector<2048x8xf32>
    %exp3A = math.exp %sub3A_7 : vector<2048x8xf32>
    %reduce_sum3A = arith.constant dense<0.000000e+00> : vector<2048xf32>
    %reduce_sum3A_8 = vector.multi_reduction <add>, %exp3A, %reduce_sum3A [1] : vector<2048x8xf32> to vector<2048xf32>
    %broadcast_in_dim3A_9 = vector.shape_cast %reduce_sum3A_8 : vector<2048xf32> to vector<2048x1xf32>
    %div3A = vector.broadcast %broadcast_in_dim3A_9 : vector<2048x1xf32> to vector<2048x8xf32>
    %div3A_10 = arith.divf %exp3A, %div3A : vector<2048x8xf32>
    %argmax3A = tpu.reduce_index %div3A_10 {axis = 1 : i32, kind = #tpu.reduction_kind<arg_max>} : vector<2048x8xf32> -> vector<2048xi32>
    %reduce_max3A_11 = arith.constant dense<0xFF800000> : vector<2048xf32>
    %reduce_max3A_12 = vector.multi_reduction <maximumf>, %div3A_10, %reduce_max3A_11 [1] : vector<2048x8xf32> to vector<2048xf32>
    %iota3A = tpu.iota {dimensions = array<i32: 1>} : vector<2048x8xi32>
    %broadcast_in_dim3A_13 = vector.shape_cast %argmax3A : vector<2048xi32> to vector<2048x1xi32>
    %eq3A = vector.broadcast %broadcast_in_dim3A_13 : vector<2048x1xi32> to vector<2048x8xi32>
    %eq3A_14 = arith.cmpi eq, %iota3A, %eq3A : vector<2048x8xi32>
    %jit3A = arith.constant 0xFF800000 : f32
    %broadcast_in_dim3A_15 = vector.broadcast %jit3A : f32 to vector<2048x8xf32>
    %select_n3A = arith.select %eq3A_14, %broadcast_in_dim3A_15, %div3A_10 : vector<2048x8xi1>, vector<2048x8xf32>
    %argmax3A_16 = tpu.reduce_index %select_n3A {axis = 1 : i32, kind = #tpu.reduction_kind<arg_max>} : vector<2048x8xf32> -> vector<2048xi32>
    %reduce_max3A_17 = arith.constant dense<0xFF800000> : vector<2048xf32>
    %reduce_max3A_18 = vector.multi_reduction <maximumf>, %select_n3A, %reduce_max3A_17 [1] : vector<2048x8xf32> to vector<2048xf32>
    %add3A = arith.addf %reduce_max3A_12, %reduce_max3A_18 : vector<2048xf32>
    %div3A_19 = arith.divf %reduce_max3A_12, %add3A : vector<2048xf32>
    %div3A_20 = arith.divf %reduce_max3A_18, %add3A : vector<2048xf32>
    %broadcast_in_dim3A_21 = vector.shape_cast %argmax3A : vector<2048xi32> to vector<2048x1xi32>
    %eq3A_22 = vector.broadcast %broadcast_in_dim3A_21 : vector<2048x1xi32> to vector<2048x8xi32>
    %eq3A_23 = arith.cmpi eq, %iota3A, %eq3A_22 : vector<2048x8xi32>
    %convert_element_type3A = arith.extui %eq3A_23 : vector<2048x8xi1> to vector<2048x8xi32>
    %convert_element_type3A_24 = arith.sitofp %convert_element_type3A : vector<2048x8xi32> to vector<2048x8xf32>
    %broadcast_in_dim3A_25 = vector.shape_cast %argmax3A_16 : vector<2048xi32> to vector<2048x1xi32>
    %eq3A_26 = vector.broadcast %broadcast_in_dim3A_25 : vector<2048x1xi32> to vector<2048x8xi32>
    %eq3A_27 = arith.cmpi eq, %iota3A, %eq3A_26 : vector<2048x8xi32>
    %convert_element_type3A_28 = arith.extui %eq3A_27 : vector<2048x8xi1> to vector<2048x8xi32>
    %convert_element_type3A_29 = arith.sitofp %convert_element_type3A_28 : vector<2048x8xi32> to vector<2048x8xf32>
    %iota3A_30 = tpu.iota {dimensions = array<i32: 0>} : vector<8x4xi32>
    %iota3A_31 = tpu.iota {dimensions = array<i32: 1>} : vector<8x4xi32>
    %broadcast_in_dim3A_32 = arith.constant 0 : i32
    %broadcast_in_dim3A_33 = vector.broadcast %broadcast_in_dim3A_32 : i32 to vector<8x4xi32>
    %eq3A_34 = arith.constant 0 : i32
    %eq3A_35 = vector.broadcast %eq3A_34 : i32 to vector<8x4xi32>
    %eq3A_36 = arith.cmpi eq, %iota3A_30, %eq3A_35 : vector<8x4xi32>
    %get3A_37 = arith.constant 0 : index
    %get3A_38 = memref.load %arg1[%get3A_37] : memref<8xi32, #tpu.memory_space<smem>>
    %jit3A_39 = arith.constant 0 : i32
    %broadcast_in_dim3A_40 = vector.broadcast %get3A_38 : i32 to vector<8x4xi32>
    %broadcast_in_dim3A_41 = vector.broadcast %jit3A_39 : i32 to vector<8x4xi32>
    %select_n3A_42 = arith.select %eq3A_36, %broadcast_in_dim3A_40, %broadcast_in_dim3A_41 : vector<8x4xi1>, vector<8x4xi32>
    %add3A_43 = arith.addi %broadcast_in_dim3A_33, %select_n3A_42 : vector<8x4xi32>
    %eq3A_44 = arith.constant 1 : i32
    %eq3A_45 = vector.broadcast %eq3A_44 : i32 to vector<8x4xi32>
    %eq3A_46 = arith.cmpi eq, %iota3A_30, %eq3A_45 : vector<8x4xi32>
    %get3A_47 = arith.constant 1 : index
    %get3A_48 = memref.load %arg1[%get3A_47] : memref<8xi32, #tpu.memory_space<smem>>
    %jit3A_49 = arith.constant 0 : i32
    %broadcast_in_dim3A_50 = vector.broadcast %get3A_48 : i32 to vector<8x4xi32>
    %broadcast_in_dim3A_51 = vector.broadcast %jit3A_49 : i32 to vector<8x4xi32>
    %select_n3A_52 = arith.select %eq3A_46, %broadcast_in_dim3A_50, %broadcast_in_dim3A_51 : vector<8x4xi1>, vector<8x4xi32>
    %add3A_53 = arith.addi %add3A_43, %select_n3A_52 : vector<8x4xi32>
    %eq3A_54 = arith.constant 2 : i32
    %eq3A_55 = vector.broadcast %eq3A_54 : i32 to vector<8x4xi32>
    %eq3A_56 = arith.cmpi eq, %iota3A_30, %eq3A_55 : vector<8x4xi32>
    %get3A_57 = arith.constant 2 : index
    %get3A_58 = memref.load %arg1[%get3A_57] : memref<8xi32, #tpu.memory_space<smem>>
    %jit3A_59 = arith.constant 0 : i32
    %broadcast_in_dim3A_60 = vector.broadcast %get3A_58 : i32 to vector<8x4xi32>
    %broadcast_in_dim3A_61 = vector.broadcast %jit3A_59 : i32 to vector<8x4xi32>
    %select_n3A_62 = arith.select %eq3A_56, %broadcast_in_dim3A_60, %broadcast_in_dim3A_61 : vector<8x4xi1>, vector<8x4xi32>
    %add3A_63 = arith.addi %add3A_53, %select_n3A_62 : vector<8x4xi32>
    %eq3A_64 = arith.constant 3 : i32
    %eq3A_65 = vector.broadcast %eq3A_64 : i32 to vector<8x4xi32>
    %eq3A_66 = arith.cmpi eq, %iota3A_30, %eq3A_65 : vector<8x4xi32>
    %get3A_67 = arith.constant 3 : index
    %get3A_68 = memref.load %arg1[%get3A_67] : memref<8xi32, #tpu.memory_space<smem>>
    %jit3A_69 = arith.constant 0 : i32
    %broadcast_in_dim3A_70 = vector.broadcast %get3A_68 : i32 to vector<8x4xi32>
    %broadcast_in_dim3A_71 = vector.broadcast %jit3A_69 : i32 to vector<8x4xi32>
    %select_n3A_72 = arith.select %eq3A_66, %broadcast_in_dim3A_70, %broadcast_in_dim3A_71 : vector<8x4xi1>, vector<8x4xi32>
    %add3A_73 = arith.addi %add3A_63, %select_n3A_72 : vector<8x4xi32>
    %eq3A_74 = arith.constant 4 : i32
    %eq3A_75 = vector.broadcast %eq3A_74 : i32 to vector<8x4xi32>
    %eq3A_76 = arith.cmpi eq, %iota3A_30, %eq3A_75 : vector<8x4xi32>
    %get3A_77 = arith.constant 4 : index
    %get3A_78 = memref.load %arg1[%get3A_77] : memref<8xi32, #tpu.memory_space<smem>>
    %jit3A_79 = arith.constant 0 : i32
    %broadcast_in_dim3A_80 = vector.broadcast %get3A_78 : i32 to vector<8x4xi32>
    %broadcast_in_dim3A_81 = vector.broadcast %jit3A_79 : i32 to vector<8x4xi32>
    %select_n3A_82 = arith.select %eq3A_76, %broadcast_in_dim3A_80, %broadcast_in_dim3A_81 : vector<8x4xi1>, vector<8x4xi32>
    %add3A_83 = arith.addi %add3A_73, %select_n3A_82 : vector<8x4xi32>
    %eq3A_84 = arith.constant 5 : i32
    %eq3A_85 = vector.broadcast %eq3A_84 : i32 to vector<8x4xi32>
    %eq3A_86 = arith.cmpi eq, %iota3A_30, %eq3A_85 : vector<8x4xi32>
    %get3A_87 = arith.constant 5 : index
    %get3A_88 = memref.load %arg1[%get3A_87] : memref<8xi32, #tpu.memory_space<smem>>
    %jit3A_89 = arith.constant 0 : i32
    %broadcast_in_dim3A_90 = vector.broadcast %get3A_88 : i32 to vector<8x4xi32>
    %broadcast_in_dim3A_91 = vector.broadcast %jit3A_89 : i32 to vector<8x4xi32>
    %select_n3A_92 = arith.select %eq3A_86, %broadcast_in_dim3A_90, %broadcast_in_dim3A_91 : vector<8x4xi1>, vector<8x4xi32>
    %add3A_93 = arith.addi %add3A_83, %select_n3A_92 : vector<8x4xi32>
    %eq3A_94 = arith.constant 6 : i32
    %eq3A_95 = vector.broadcast %eq3A_94 : i32 to vector<8x4xi32>
    %eq3A_96 = arith.cmpi eq, %iota3A_30, %eq3A_95 : vector<8x4xi32>
    %get3A_97 = arith.constant 6 : index
    %get3A_98 = memref.load %arg1[%get3A_97] : memref<8xi32, #tpu.memory_space<smem>>
    %jit3A_99 = arith.constant 0 : i32
    %broadcast_in_dim3A_100 = vector.broadcast %get3A_98 : i32 to vector<8x4xi32>
    %broadcast_in_dim3A_101 = vector.broadcast %jit3A_99 : i32 to vector<8x4xi32>
    %select_n3A_102 = arith.select %eq3A_96, %broadcast_in_dim3A_100, %broadcast_in_dim3A_101 : vector<8x4xi1>, vector<8x4xi32>
    %add3A_103 = arith.addi %add3A_93, %select_n3A_102 : vector<8x4xi32>
    %eq3A_104 = arith.constant 7 : i32
    %eq3A_105 = vector.broadcast %eq3A_104 : i32 to vector<8x4xi32>
    %eq3A_106 = arith.cmpi eq, %iota3A_30, %eq3A_105 : vector<8x4xi32>
    %get3A_107 = arith.constant 7 : index
    %get3A_108 = memref.load %arg1[%get3A_107] : memref<8xi32, #tpu.memory_space<smem>>
    %jit3A_109 = arith.constant 0 : i32
    %broadcast_in_dim3A_110 = vector.broadcast %get3A_108 : i32 to vector<8x4xi32>
    %broadcast_in_dim3A_111 = vector.broadcast %jit3A_109 : i32 to vector<8x4xi32>
    %select_n3A_112 = arith.select %eq3A_106, %broadcast_in_dim3A_110, %broadcast_in_dim3A_111 : vector<8x4xi1>, vector<8x4xi32>
    %add3A_113 = arith.addi %add3A_103, %select_n3A_112 : vector<8x4xi32>
    %eq3A_114 = arith.cmpi eq, %iota3A_31, %add3A_113 : vector<8x4xi32>
    %convert_element_type3A_115 = arith.extui %eq3A_114 : vector<8x4xi1> to vector<8x4xi32>
    %convert_element_type3A_116 = arith.sitofp %convert_element_type3A_115 : vector<8x4xi32> to vector<8x4xf32>
    %dot_general3A_117 = arith.constant dense<0.000000e+00> : vector<2048x4xf32>
    %dot_general3A_118 = tpu.matmul %convert_element_type3A_24, %convert_element_type3A_116, %dot_general3A_117 {dimension_numbers = #tpu.dot_dimension_numbers<[1], [0], [0], [1], [0, 0, 1, 1], [], []>, transpose_lhs_hint = false} : vector<2048x8xf32>, vector<8x4xf32>, vector<2048x4xf32> -> vector<2048x4xf32>
    %dot_general3A_119 = arith.constant dense<0.000000e+00> : vector<2048x4xf32>
    %dot_general3A_120 = tpu.matmul %convert_element_type3A_29, %convert_element_type3A_116, %dot_general3A_119 {dimension_numbers = #tpu.dot_dimension_numbers<[1], [0], [0], [1], [0, 0, 1, 1], [], []>, transpose_lhs_hint = false} : vector<2048x8xf32>, vector<8x4xf32>, vector<2048x4xf32> -> vector<2048x4xf32>
    %iota3A_121 = tpu.iota {dimensions = array<i32: 0>} : vector<2048x2048xi32>
    %iota3A_122 = tpu.iota {dimensions = array<i32: 1>} : vector<2048x2048xi32>
    %lt3A = arith.cmpi slt, %iota3A_122, %iota3A_121 : vector<2048x2048xi32>
    %convert_element_type3A_123 = arith.extui %lt3A : vector<2048x2048xi1> to vector<2048x2048xi32>
    %convert_element_type3A_124 = arith.sitofp %convert_element_type3A_123 : vector<2048x2048xi32> to vector<2048x2048xf32>
    %dot_general3A_125 = arith.constant dense<0.000000e+00> : vector<2048x4xf32>
    %dot_general3A_126 = tpu.matmul %convert_element_type3A_124, %dot_general3A_118, %dot_general3A_125 {dimension_numbers = #tpu.dot_dimension_numbers<[1], [0], [0], [1], [0, 0, 1, 1], [], []>, transpose_lhs_hint = false} : vector<2048x2048xf32>, vector<2048x4xf32>, vector<2048x4xf32> -> vector<2048x4xf32>
    %dot_general3A_127 = arith.constant dense<0.000000e+00> : vector<2048x4xf32>
    %dot_general3A_128 = tpu.matmul %convert_element_type3A_124, %dot_general3A_120, %dot_general3A_127 {dimension_numbers = #tpu.dot_dimension_numbers<[1], [0], [0], [1], [0, 0, 1, 1], [], []>, transpose_lhs_hint = false} : vector<2048x2048xf32>, vector<2048x4xf32>, vector<2048x4xf32> -> vector<2048x4xf32>
    %reduce_sum3A_129 = arith.constant dense<0.000000e+00> : vector<4xf32>
    %reduce_sum3A_130 = vector.multi_reduction <add>, %dot_general3A_118, %reduce_sum3A_129 [0] : vector<2048x4xf32> to vector<4xf32>
    %broadcast_in_dim3A_131 = vector.shape_cast %reduce_sum3A_130 : vector<4xf32> to vector<1x4xf32>
    %reduce_sum3A_132 = arith.constant dense<0.000000e+00> : vector<4xf32>
    %reduce_sum3A_133 = vector.multi_reduction <add>, %dot_general3A_120, %reduce_sum3A_132 [0] : vector<2048x4xf32> to vector<4xf32>
    %broadcast_in_dim3A_134 = vector.shape_cast %reduce_sum3A_133 : vector<4xf32> to vector<1x4xf32>
    %add3A_135 = arith.addf %broadcast_in_dim3A_131, %broadcast_in_dim3A_134 : vector<1x4xf32>
    %div3A_136 = arith.constant 2.560000e+02 : f32
    %div3A_137 = vector.broadcast %div3A_136 : f32 to vector<1x4xf32>
    %div3A_138 = arith.divf %add3A_135, %div3A_137 : vector<1x4xf32>
    %ceil3A = math.ceil %div3A_138 : vector<1x4xf32>
    %mul3A = arith.constant 2.560000e+02 : f32
    %mul3A_139 = vector.broadcast %mul3A : f32 to vector<1x4xf32>
    %mul3A_140 = arith.mulf %ceil3A, %mul3A_139 : vector<1x4xf32>
    %iota3A_141 = tpu.iota {dimensions = array<i32: 0>} : vector<4x4xi32>
    %iota3A_142 = tpu.iota {dimensions = array<i32: 1>} : vector<4x4xi32>
    %lt3A_143 = arith.cmpi slt, %iota3A_141, %iota3A_142 : vector<4x4xi32>
    %convert_element_type3A_144 = arith.extui %lt3A_143 : vector<4x4xi1> to vector<4x4xi32>
    %convert_element_type3A_145 = arith.sitofp %convert_element_type3A_144 : vector<4x4xi32> to vector<4x4xf32>
    %dot_general3A_146 = arith.constant dense<0.000000e+00> : vector<1x4xf32>
    %dot_general3A_147 = tpu.matmul %mul3A_140, %convert_element_type3A_145, %dot_general3A_146 {dimension_numbers = #tpu.dot_dimension_numbers<[1], [0], [0], [1], [0, 0, 1, 1], [], []>, transpose_lhs_hint = false} : vector<1x4xf32>, vector<4x4xf32>, vector<1x4xf32> -> vector<1x4xf32>
    %add3A_148 = vector.broadcast %dot_general3A_147 : vector<1x4xf32> to vector<2048x4xf32>
    %add3A_149 = arith.addf %add3A_148, %dot_general3A_126 : vector<2048x4xf32>
    %mul3A_150 = arith.mulf %dot_general3A_118, %add3A_149 : vector<2048x4xf32>
    %reduce_sum3A_151 = arith.constant dense<0.000000e+00> : vector<2048xf32>
    %reduce_sum3A_152 = vector.multi_reduction <add>, %mul3A_150, %reduce_sum3A_151 [1] : vector<2048x4xf32> to vector<2048xf32>
    %add3A_153 = arith.addf %dot_general3A_147, %broadcast_in_dim3A_131 : vector<1x4xf32>
    %add3A_154 = vector.broadcast %add3A_153 : vector<1x4xf32> to vector<2048x4xf32>
    %add3A_155 = arith.addf %add3A_154, %dot_general3A_128 : vector<2048x4xf32>
    %mul3A_156 = arith.mulf %dot_general3A_120, %add3A_155 : vector<2048x4xf32>
    %reduce_sum3A_157 = arith.constant dense<0.000000e+00> : vector<2048xf32>
    %reduce_sum3A_158 = vector.multi_reduction <add>, %mul3A_156, %reduce_sum3A_157 [1] : vector<2048x4xf32> to vector<2048xf32>
    %iota3A_159 = tpu.iota {dimensions = array<i32: 1>} : vector<2048x8xi32>
    %eq3A_160 = arith.constant 0 : i32
    %eq3A_161 = vector.broadcast %eq3A_160 : i32 to vector<2048x8xi32>
    %eq3A_162 = arith.cmpi eq, %iota3A_159, %eq3A_161 : vector<2048x8xi32>
    %broadcast_in_dim3A_163 = vector.shape_cast %reduce_sum3A_152 : vector<2048xf32> to vector<2048x1xf32>
    %jit3A_164 = arith.constant 0.000000e+00 : f32
    %broadcast_in_dim3A_165 = vector.shape_cast %broadcast_in_dim3A_163 : vector<2048x1xf32> to vector<2048x1xf32>
    %broadcast_in_dim3A_166 = vector.broadcast %broadcast_in_dim3A_165 : vector<2048x1xf32> to vector<2048x8xf32>
    %broadcast_in_dim3A_167 = vector.broadcast %jit3A_164 : f32 to vector<2048x8xf32>
    %select_n3A_168 = arith.select %eq3A_162, %broadcast_in_dim3A_166, %broadcast_in_dim3A_167 : vector<2048x8xi1>, vector<2048x8xf32>
    %eq3A_169 = arith.constant 1 : i32
    %eq3A_170 = vector.broadcast %eq3A_169 : i32 to vector<2048x8xi32>
    %eq3A_171 = arith.cmpi eq, %iota3A_159, %eq3A_170 : vector<2048x8xi32>
    %broadcast_in_dim3A_172 = vector.shape_cast %reduce_sum3A_158 : vector<2048xf32> to vector<2048x1xf32>
    %jit3A_173 = arith.constant 0.000000e+00 : f32
    %broadcast_in_dim3A_174 = vector.shape_cast %broadcast_in_dim3A_172 : vector<2048x1xf32> to vector<2048x1xf32>
    %broadcast_in_dim3A_175 = vector.broadcast %broadcast_in_dim3A_174 : vector<2048x1xf32> to vector<2048x8xf32>
    %broadcast_in_dim3A_176 = vector.broadcast %jit3A_173 : f32 to vector<2048x8xf32>
    %select_n3A_177 = arith.select %eq3A_171, %broadcast_in_dim3A_175, %broadcast_in_dim3A_176 : vector<2048x8xi1>, vector<2048x8xf32>
    %add3A_178 = arith.addf %select_n3A_168, %select_n3A_177 : vector<2048x8xf32>
    %eq3A_179 = arith.constant 0 : i32
    %eq3A_180 = vector.broadcast %eq3A_179 : i32 to vector<2048x8xi32>
    %eq3A_181 = arith.cmpi eq, %iota3A_159, %eq3A_180 : vector<2048x8xi32>
    %broadcast_in_dim3A_182 = vector.shape_cast %div3A_19 : vector<2048xf32> to vector<2048x1xf32>
    %jit3A_183 = arith.constant 0.000000e+00 : f32
    %broadcast_in_dim3A_184 = vector.shape_cast %broadcast_in_dim3A_182 : vector<2048x1xf32> to vector<2048x1xf32>
    %broadcast_in_dim3A_185 = vector.broadcast %broadcast_in_dim3A_184 : vector<2048x1xf32> to vector<2048x8xf32>
    %broadcast_in_dim3A_186 = vector.broadcast %jit3A_183 : f32 to vector<2048x8xf32>
    %select_n3A_187 = arith.select %eq3A_181, %broadcast_in_dim3A_185, %broadcast_in_dim3A_186 : vector<2048x8xi1>, vector<2048x8xf32>
    %eq3A_188 = arith.constant 1 : i32
    %eq3A_189 = vector.broadcast %eq3A_188 : i32 to vector<2048x8xi32>
    %eq3A_190 = arith.cmpi eq, %iota3A_159, %eq3A_189 : vector<2048x8xi32>
    %broadcast_in_dim3A_191 = vector.shape_cast %div3A_20 : vector<2048xf32> to vector<2048x1xf32>
    %jit3A_192 = arith.constant 0.000000e+00 : f32
    %broadcast_in_dim3A_193 = vector.shape_cast %broadcast_in_dim3A_191 : vector<2048x1xf32> to vector<2048x1xf32>
    %broadcast_in_dim3A_194 = vector.broadcast %broadcast_in_dim3A_193 : vector<2048x1xf32> to vector<2048x8xf32>
    %broadcast_in_dim3A_195 = vector.broadcast %jit3A_192 : f32 to vector<2048x8xf32>
    %select_n3A_196 = arith.select %eq3A_190, %broadcast_in_dim3A_194, %broadcast_in_dim3A_195 : vector<2048x8xi1>, vector<2048x8xf32>
    %add3A_197 = arith.addf %select_n3A_187, %select_n3A_196 : vector<2048x8xf32>
    %convert_element_type3A_198 = arith.fptosi %add3A_178 : vector<2048x8xf32> to vector<2048x8xi32>
    %swap3A = arith.constant 0 : index
    %swap3A_199 = arith.constant 0 : index
    %swap3A_200 = vector.load %arg4[%swap3A, %swap3A_199] : memref<2048x8xi32, #tpu.memory_space<vmem>>, vector<2048x8xi32>
    tpu.vector_store %arg4[%swap3A, %swap3A_199], %convert_element_type3A_198 {strides = array<i32>} : memref<2048x8xi32, #tpu.memory_space<vmem>>, vector<2048x8xi32>,
    %swap3A_201 = arith.constant 0 : index
    %swap3A_202 = arith.constant 0 : index
    %swap3A_203 = vector.load %arg5[%swap3A_201, %swap3A_202] : memref<2048x8xf32, #tpu.memory_space<vmem>>, vector<2048x8xf32>
    tpu.vector_store %arg5[%swap3A_201, %swap3A_202], %add3A_197 {strides = array<i32>} : memref<2048x8xf32, #tpu.memory_space<vmem>>, vector<2048x8xf32>,
    %iota3A_204 = tpu.iota {dimensions = array<i32: 1>} : vector<8x128xi32>
    %mul3A_205 = arith.constant 256 : i32
    %mul3A_206 = vector.broadcast %mul3A_205 : i32 to vector<8x128xi32>
    %mul3A_207 = arith.muli %iota3A_204, %mul3A_206 : vector<8x128xi32>
    %convert_element_type3A_208 = arith.sitofp %mul3A_207 : vector<8x128xi32> to vector<8x128xf32>
    %broadcast_in_dim3A_209 = arith.constant 0 : i32
    %broadcast_in_dim3A_210 = vector.broadcast %broadcast_in_dim3A_209 : i32 to vector<8x128xi32>
    %slice3A = vector.extract_strided_slice %dot_general3A_147 {offsets = [0, 1], sizes = [1, 1], strides = [1, 1]} : vector<1x4xf32> to vector<1x1xf32>
    %ge3A = vector.broadcast %slice3A : vector<1x1xf32> to vector<8x128xf32>
    %ge3A_211 = arith.cmpf oge, %convert_element_type3A_208, %ge3A : vector<8x128xf32>
    %jit3A_212 = arith.constant 1 : i32
    %jit3A_213 = arith.constant 0 : i32
    %broadcast_in_dim3A_214 = vector.broadcast %jit3A_212 : i32 to vector<8x128xi32>
    %broadcast_in_dim3A_215 = vector.broadcast %jit3A_213 : i32 to vector<8x128xi32>
    %select_n3A_216 = arith.select %ge3A_211, %broadcast_in_dim3A_214, %broadcast_in_dim3A_215 : vector<8x128xi1>, vector<8x128xi32>
    %add3A_217 = arith.addi %broadcast_in_dim3A_210, %select_n3A_216 : vector<8x128xi32>
    %slice3A_218 = vector.extract_strided_slice %dot_general3A_147 {offsets = [0, 2], sizes = [1, 1], strides = [1, 1]} : vector<1x4xf32> to vector<1x1xf32>
    %ge3A_219 = vector.broadcast %slice3A_218 : vector<1x1xf32> to vector<8x128xf32>
    %ge3A_220 = arith.cmpf oge, %convert_element_type3A_208, %ge3A_219 : vector<8x128xf32>
    %jit3A_221 = arith.constant 1 : i32
    %jit3A_222 = arith.constant 0 : i32
    %broadcast_in_dim3A_223 = vector.broadcast %jit3A_221 : i32 to vector<8x128xi32>
    %broadcast_in_dim3A_224 = vector.broadcast %jit3A_222 : i32 to vector<8x128xi32>
    %select_n3A_225 = arith.select %ge3A_220, %broadcast_in_dim3A_223, %broadcast_in_dim3A_224 : vector<8x128xi1>, vector<8x128xi32>
    %add3A_226 = arith.addi %add3A_217, %select_n3A_225 : vector<8x128xi32>
    %slice3A_227 = vector.extract_strided_slice %dot_general3A_147 {offsets = [0, 3], sizes = [1, 1], strides = [1, 1]} : vector<1x4xf32> to vector<1x1xf32>
    %ge3A_228 = vector.broadcast %slice3A_227 : vector<1x1xf32> to vector<8x128xf32>
    %ge3A_229 = arith.cmpf oge, %convert_element_type3A_208, %ge3A_228 : vector<8x128xf32>
    %jit3A_230 = arith.constant 1 : i32
    %jit3A_231 = arith.constant 0 : i32
    %broadcast_in_dim3A_232 = vector.broadcast %jit3A_230 : i32 to vector<8x128xi32>
    %broadcast_in_dim3A_233 = vector.broadcast %jit3A_231 : i32 to vector<8x128xi32>
    %select_n3A_234 = arith.select %ge3A_229, %broadcast_in_dim3A_232, %broadcast_in_dim3A_233 : vector<8x128xi1>, vector<8x128xi32>
    %add3A_235 = arith.addi %add3A_226, %select_n3A_234 : vector<8x128xi32>
    %reduce_sum3A_236 = vector.shape_cast %mul3A_140 : vector<1x4xf32> to vector<1x1x4xf32>
    %reduce_sum3A_237 = arith.constant dense<0.000000e+00> : vector<1xf32>
    %reduce_sum3A_238 = vector.multi_reduction <add>, %reduce_sum3A_236, %reduce_sum3A_237 [1, 2] : vector<1x1x4xf32> to vector<1xf32>
    %reduce_sum3A_239 = vector.shape_cast %reduce_sum3A_238 : vector<1xf32> to vector<1x1x1xf32>
    %reduce_sum3A_240 = vector.extract %reduce_sum3A_239[0, 0, 0] : f32 from vector<1x1x1xf32>
    %div3A_241 = arith.constant 2.560000e+02 : f32
    %div3A_242 = arith.divf %reduce_sum3A_240, %div3A_241 : f32
    %convert_element_type3A_243 = arith.fptosi %div3A_242 : f32 to i32
    %slice3A_244 = vector.extract_strided_slice %add3A_235 {offsets = [0, 0], sizes = [1, 128], strides = [1, 1]} : vector<8x128xi32> to vector<1x128xi32>
    %swap3A_245 = arith.constant 0 : index
    %swap3A_246 = arith.constant 0 : index
    %swap3A_247 = vector.load %arg6[%swap3A_245, %swap3A_246] : memref<8x128xi32, #tpu.memory_space<vmem>>, vector<1x128xi32>
    tpu.vector_store %arg6[%swap3A_245, %swap3A_246], %slice3A_244 {strides = array<i32>} : memref<8x128xi32, #tpu.memory_space<vmem>>, vector<1x128xi32>,
    %broadcast_in_dim3A_248 = vector.broadcast %convert_element_type3A_243 : i32 to vector<1x128xi32>
    %swap3A_249 = arith.constant 1 : index
    %swap3A_250 = arith.constant 0 : index
    %swap3A_251 = vector.load %arg6[%swap3A_249, %swap3A_250] : memref<8x128xi32, #tpu.memory_space<vmem>>, vector<1x128xi32>
    tpu.vector_store %arg6[%swap3A_249, %swap3A_250], %broadcast_in_dim3A_248 {strides = array<i32>} : memref<8x128xi32, #tpu.memory_space<vmem>>, vector<1x128xi32>,
    return
  }
  func.func @transform_0(%arg0: i32, %arg1: memref<8xi32, #tpu.memory_space<smem>>) -> (i32, i32) {
    %c0_i32 = arith.constant 0 : i32
    %c0_i32_0 = arith.constant 0 : i32
    %c0_i32_1 = arith.constant 0 : i32
    return %c0_i32, %c0_i32_0 : i32, i32
  }
  func.func @transform_1(%arg0: i32, %arg1: memref<8xi32, #tpu.memory_space<smem>>) -> (i32, i32) {
    %c0_i32 = arith.constant 0 : i32
    %c0_i32_0 = arith.constant 0 : i32
    %c0_i32_1 = arith.constant 0 : i32
    return %c0_i32, %c0_i32_0 : i32, i32
  }
  func.func @transform_2(%arg0: i32, %arg1: memref<8xi32, #tpu.memory_space<smem>>) -> (i32, i32) {
    %c0_i32 = arith.constant 0 : i32
    %c0_i32_0 = arith.constant 0 : i32
    %c0_i32_1 = arith.constant 0 : i32
    return %c0_i32, %c0_i32_0 : i32, i32
  }
  func.func @transform_3(%arg0: i32, %arg1: memref<8xi32, #tpu.memory_space<smem>>) -> (i32, i32) {
    %c0_i32 = arith.constant 0 : i32
    %c0_i32_0 = arith.constant 0 : i32
    %c0_i32_1 = arith.constant 0 : i32
    return %c0_i32, %c0_i32_0 : i32, i32
  }
  func.func @transform_4(%arg0: i32, %arg1: memref<8xi32, #tpu.memory_space<smem>>) -> (i32, i32) {
    %c0_i32 = arith.constant 0 : i32
    %c0_i32_0 = arith.constant 0 : i32
    %c0_i32_1 = arith.constant 0 : i32
    return %c0_i32, %c0_i32_0 : i32, i32
  }
}

module attributes {stable_mosaic.version = 14 : i64} {
  func.func @_ffn_kernel(%arg0: i32, %arg1: memref<8x128xi32, #tpu.memory_space<smem>>, %arg2: memref<4xi32, #tpu.memory_space<smem>>, %arg3: memref<256x1024xf32, #tpu.memory_space<vmem>>, %arg4: memref<256x1xf32, #tpu.memory_space<vmem>>, %arg5: memref<1x1536x1024xf32, #tpu.memory_space<vmem>>, %arg6: memref<1x1024x768xf32, #tpu.memory_space<vmem>>, %arg7: memref<256x1024xf32, #tpu.memory_space<vmem>>) attributes {dimension_semantics = [#tpu.dimension_semantics<arbitrary>], iteration_bounds = array<i64: 20>, scalar_prefetch = 2 : i64, scratch_operands = 0 : i64, tpu.core_type = #tpu.core_type<tc>, window_params = [{transform_indices = @transform_0, window_bounds = array<i64: 256, 1024>}, {transform_indices = @transform_1, window_bounds = array<i64: 256, 1>}, {transform_indices = @transform_2, window_bounds = array<i64: 1, 1536, 1024>}, {transform_indices = @transform_3, window_bounds = array<i64: 1, 1024, 768>}, {transform_indices = @transform_4, window_bounds = array<i64: 256, 1024>}]} {
    %get3A = arith.constant 1 : index
    %get3A_0 = arith.constant 0 : index
    %get3A_1 = memref.load %arg1[%get3A, %get3A_0] : memref<8x128xi32, #tpu.memory_space<smem>>
    %lt3A = arith.cmpi slt, %arg0, %get3A_1 : i32
    %convert_element_type3A = arith.extui %lt3A : i1 to i32
    %cond3A = arith.constant 0 : i32
    %cond3A_2 = arith.cmpi ne, %convert_element_type3A, %cond3A : i32
    scf.if %cond3A_2 {
      %get3A_3 = arith.constant 0 : index
      %get3A_4 = arith.constant 0 : index
      %get3A_5 = vector.load %arg3[%get3A_3, %get3A_4] : memref<256x1024xf32, #tpu.memory_space<vmem>>, vector<256x1024xf32>
      %get3A_6 = arith.constant 0 : index
      %get3A_7 = arith.constant 0 : index
      %get3A_8 = arith.constant 0 : index
      %get3A_9 = vector.load %arg5[%get3A_6, %get3A_7, %get3A_8] : memref<1x1536x1024xf32, #tpu.memory_space<vmem>>, vector<1x1536x1024xf32>
      %get3A_10 = vector.shape_cast %get3A_9 : vector<1x1536x1024xf32> to vector<1536x1024xf32>
      %dot_general3A = arith.constant dense<0.000000e+00> : vector<256x1536xf32>
      %dot_general3A_11 = tpu.matmul %get3A_5, %get3A_10, %dot_general3A {dimension_numbers = #tpu.dot_dimension_numbers<[1], [1], [0], [0], [0, 0, 1, 0], [], []>, transpose_lhs_hint = false} : vector<256x1024xf32>, vector<1536x1024xf32>, vector<256x1536xf32> -> vector<256x1536xf32>
      %slice3A = vector.extract_strided_slice %dot_general3A_11 {offsets = [0, 0], sizes = [256, 768], strides = [1, 1]} : vector<256x1536xf32> to vector<256x768xf32>
      %slice3A_12 = vector.extract_strided_slice %dot_general3A_11 {offsets = [0, 768], sizes = [256, 768], strides = [1, 1]} : vector<256x1536xf32> to vector<256x768xf32>
      %logistic3A = arith.negf %slice3A : vector<256x768xf32>
      %logistic3A_13 = math.exp %logistic3A : vector<256x768xf32>
      %logistic3A_14 = arith.constant 1.000000e+00 : f32
      %logistic3A_15 = vector.broadcast %logistic3A_14 : f32 to vector<256x768xf32>
      %logistic3A_16 = arith.addf %logistic3A_15, %logistic3A_13 : vector<256x768xf32>
      %logistic3A_17 = arith.divf %logistic3A_15, %logistic3A_16 : vector<256x768xf32>
      %mul3A = arith.mulf %slice3A, %logistic3A_17 : vector<256x768xf32>
      %mul3A_18 = arith.mulf %mul3A, %slice3A_12 : vector<256x768xf32>
      %get3A_19 = arith.constant 0 : index
      %get3A_20 = arith.constant 0 : index
      %get3A_21 = vector.load %arg4[%get3A_19, %get3A_20] : memref<256x1xf32, #tpu.memory_space<vmem>>, vector<256x1xf32>
      %mul3A_22 = vector.broadcast %get3A_21 : vector<256x1xf32> to vector<256x768xf32>
      %mul3A_23 = arith.mulf %mul3A_18, %mul3A_22 : vector<256x768xf32>
      %get3A_24 = arith.constant 0 : index
      %get3A_25 = arith.constant 0 : index
      %get3A_26 = arith.constant 0 : index
      %get3A_27 = vector.load %arg6[%get3A_24, %get3A_25, %get3A_26] : memref<1x1024x768xf32, #tpu.memory_space<vmem>>, vector<1x1024x768xf32>
      %get3A_28 = vector.shape_cast %get3A_27 : vector<1x1024x768xf32> to vector<1024x768xf32>
      %dot_general3A_29 = arith.constant dense<0.000000e+00> : vector<256x1024xf32>
      %dot_general3A_30 = tpu.matmul %mul3A_23, %get3A_28, %dot_general3A_29 {dimension_numbers = #tpu.dot_dimension_numbers<[1], [1], [0], [0], [0, 0, 1, 0], [], []>, transpose_lhs_hint = false} : vector<256x768xf32>, vector<1024x768xf32>, vector<256x1024xf32> -> vector<256x1024xf32>
      %swap3A = arith.constant 0 : index
      %swap3A_31 = arith.constant 0 : index
      %swap3A_32 = vector.load %arg7[%swap3A, %swap3A_31] : memref<256x1024xf32, #tpu.memory_space<vmem>>, vector<256x1024xf32>
      tpu.vector_store %arg7[%swap3A, %swap3A_31], %dot_general3A_30 {strides = array<i32>} : memref<256x1024xf32, #tpu.memory_space<vmem>>, vector<256x1024xf32>,
    } else {
    }
    return
  }
  func.func @transform_0(%arg0: i32, %arg1: memref<8x128xi32, #tpu.memory_space<smem>>, %arg2: memref<4xi32, #tpu.memory_space<smem>>) -> (i32, i32) {
    %c0_i32 = arith.constant 0 : i32
    %c0_i32_0 = arith.constant 0 : i32
    return %arg0, %c0_i32 : i32, i32
  }
  func.func @transform_1(%arg0: i32, %arg1: memref<8x128xi32, #tpu.memory_space<smem>>, %arg2: memref<4xi32, #tpu.memory_space<smem>>) -> (i32, i32) {
    %c0_i32 = arith.constant 0 : i32
    %c0_i32_0 = arith.constant 0 : i32
    return %arg0, %c0_i32 : i32, i32
  }
  func.func @transform_2(%arg0: i32, %arg1: memref<8x128xi32, #tpu.memory_space<smem>>, %arg2: memref<4xi32, #tpu.memory_space<smem>>) -> (i32, i32, i32) {
    %get3A = arith.constant 0 : index
    %get3A_0 = arith.index_cast %arg0 : i32 to index
    %get3A_1 = memref.load %arg1[%get3A, %get3A_0] : memref<8x128xi32, #tpu.memory_space<smem>>
    %get3A_2 = arith.index_cast %get3A_1 : i32 to index
    %get3A_3 = memref.load %arg2[%get3A_2] : memref<4xi32, #tpu.memory_space<smem>>
    %c0_i32 = arith.constant 0 : i32
    %c0_i32_4 = arith.constant 0 : i32
    %c0_i32_5 = arith.constant 0 : i32
    return %get3A_3, %c0_i32, %c0_i32_4 : i32, i32, i32
  }
  func.func @transform_3(%arg0: i32, %arg1: memref<8x128xi32, #tpu.memory_space<smem>>, %arg2: memref<4xi32, #tpu.memory_space<smem>>) -> (i32, i32, i32) {
    %get3A = arith.constant 0 : index
    %get3A_0 = arith.index_cast %arg0 : i32 to index
    %get3A_1 = memref.load %arg1[%get3A, %get3A_0] : memref<8x128xi32, #tpu.memory_space<smem>>
    %get3A_2 = arith.index_cast %get3A_1 : i32 to index
    %get3A_3 = memref.load %arg2[%get3A_2] : memref<4xi32, #tpu.memory_space<smem>>
    %c0_i32 = arith.constant 0 : i32
    %c0_i32_4 = arith.constant 0 : i32
    %c0_i32_5 = arith.constant 0 : i32
    return %get3A_3, %c0_i32, %c0_i32_4 : i32, i32, i32
  }
  func.func @transform_4(%arg0: i32, %arg1: memref<8x128xi32, #tpu.memory_space<smem>>, %arg2: memref<4xi32, #tpu.memory_space<smem>>) -> (i32, i32) {
    %c0_i32 = arith.constant 0 : i32
    %c0_i32_0 = arith.constant 0 : i32
    return %arg0, %c0_i32 : i32, i32
  }
}

</mosaic_0001>

<sc_bundles>
// kernel: kernel.6.cloned.1.call-start
scs
__scs_entry_jumppad:
0x0: {  	(pc) =	sbr.rel $0x88, $3  }
0x1: {  	(tag) =	ssettag $0x0;
	lr =	simm.s32 $0x1  }
0x2: {  	[smem:$0x3F9B] =	sst lr;
	_ =	strace $0xD0000000  }
0x3: {  	_ = 	snop  }
0x4: {  	_ = 	snop  }
0x5: {  	_ = 	snop  }
0x6: {  	_ = 	snop  }
0x7: {  	_ = 	snop  }
__scs_overlays_trampoline_lowered:
0x8: {  	[smem:$0x3FAA] =	sst s0  }
0x9: {  	[smem:$0x3FAB] =	sst s1  }
0xa: {  	[smem:$0x3FAC] =	sst s2  }
0xb: {  	[smem:$0x3FAD] =	sst s3  }
0xc: {  	[smem:$0x3FAE] =	sst s4  }
0xd: {  	[smem:$0x3FAF] =	sst s5  }
0xe: {  	[smem:$0x3FB0] =	sst s6  }
0xf: {  	[smem:$0x3FB1] =	sst s7  }
0x10: {  	[smem:$0x3FB2] =	sst s8  }
0x11: {  	[smem:$0x3FB3] =	sst s9;
	s0 =	simm.s32 @!p0 $0x0  }
0x12: {  	s1 =	sld [smem:$0x3F99];
	s0 =	simm.s32 @p0 $0x1  }
0x13: {  	[smem:$0x3FB4] =	sst s0;
	s0 =	simm.s32 @!p1 $0x0  }
0x14: {  	s2 =	sld [smem:$0x3F98];
	s0 =	simm.s32 @p1 $0x1  }
0x15: {  	[smem:$0x3FB5] =	sst s0;
	s0 =	simm.s32 @!p2 $0x0  }
0x16: {  	s3 =	sld [smem:$0x3FDB];
	s0 =	simm.s32 @p2 $0x1  }
0x17: {  	s4 =	simm.s32 $0x1BF5;
	[smem:$0x3FB7] =	sst s0  }
0x18: {  	s0 =	sld [smem:$0x3F9A];
	_ =	swait.ge [sflag:s4], $0x0  }
0x19: {  	s7 =	sld [smem:$0x3F9B]  }
0x1a: {  	s8 =	sadd.s32 $0xFFFFE003, lr  }
0x1b: {  	s9 =	sadd.s32 $0xFFFFFEF7, lr;
	s5 =	simm.s32 $0xFFFFFFFF;
	p2 =	slt.u32 s8, $0xFFFFF086  }
0x1c: {  	p1 =	slt.u32 s9, $0xF7A;
	s5 =	simm.s32 @!p2 $0x0  }
0x1d: {  	s5 =	simm.s32 @p1 $0x1;
	p0 =	seq.s32 s7, s2  }
0x1e: {  	s7 =	smul.u32 @!p0 $0xF7A, s2;
	p2 =	seq.s32 @!p0 s5, $0x0  }
0x1f: {  	s9 =	smul.u32 $0xF7A, s1;
	s8 =	simm.s32 @!p0 $0x1BF5;
	p2 =	por !p2, p0  }
0x20: {  	[sflag:s8] =	ssyncset.s32 @!p0 $0xFFFFF086;
	s6 =	sadd.s32 @!p0 s3, s7;
	s7 =	simm.s32 @!p0 $0x108  }
0x21: {  	s3 =	sadd.s32 s3, s9;
	s6 =	sadd.s32 @!p0 $0x88, s6;
	s7 =	simm.s32 @p2 $0x1082  }
0x22: {  	[simem:s7], [sflag:s8] =	dma.local @!p0 [hbm:s6], $0xF7A  }
0x23: {  	s9 =	sor.u32 $0xD0000000, s2;
	s6 =	simm.s32 $0x108;
	_ =	swait.ge @!p0 [sflag:s8], $0x0  }
0x24: {  	s3 =	sadd.s32 $0x88, s3;
	s6 =	simm.s32 @!p1 $0x1082;
	[sflag:s4] =	ssyncset.s32 $0xFFFFF086  }
0x25: {  	[simem:s6], [sflag:s4] =	dma.local [hbm:s3], $0xF7A  }
0x26: {  	[smem:$0x3F9B] =	sst s1;
	(tag) =	ssettag s2;
	_ =	strace s9  }
0x27: {  	s1 =	sld [smem:$0x3FAB]  }
0x28: {  	s2 =	sld [smem:$0x3FAC]  }
0x29: {  	s4 =	sld [smem:$0x3FAE]  }
0x2a: {  	p0 =	seq.s32 s5, $0x0;
	s5 =	sld [smem:$0x3FAF]  }
0x2b: {  	s6 =	sld [smem:$0x3FB0]  }
0x2c: {  	s7 =	sld [smem:$0x3FB1]  }
0x2d: {  	s3 =	simm.s32 $0x108;
	s8 =	sld [smem:$0x3FB2]  }
0x2e: {  	s3 =	simm.s32 @!p0 $0x1082;
	s9 =	sld [smem:$0x3FB3]  }
0x2f: {  	lr =	sadd.s32 s0, s3;
	s0 =	sld [smem:$0x3FAA]  }
0x30: {  	s3 =	sld [smem:$0x3FAD]  }
0x31: {  	[smem:$0x3FB6] =	sst s10  }
0x32: {  	s10 =	sld [smem:$0x3FB4];
	_ =	sdelay $0x3  }
0x33: {  	p0 =	seq.s32 s10, $0x1;
	s10 =	sld [smem:$0x3FB6];
	_ =	sdelay $0x3  }
0x34: {  	[smem:$0x3FB6] =	sst s10  }
0x35: {  	s10 =	sld [smem:$0x3FB5];
	_ =	sdelay $0x3  }
0x36: {  	p1 =	seq.s32 s10, $0x1;
	s10 =	sld [smem:$0x3FB6];
	_ =	sdelay $0x3  }
0x37: {  	[smem:$0x3FB6] =	sst s10  }
0x38: {  	s10 =	sld [smem:$0x3FB7]  }
0x39: {  	_ = 	snop;
	(pc) =	sbr.ind lr, $3  }
0x3a: {  	_ = 	snop  }
0x3b: {  	_ = 	snop  }
0x3c: {  	p2 =	seq.s32 s10, $0x1;
	s10 =	sld [smem:$0x3FB6]  }
0x3d: {  	_ =	shalt  }
0x3e: {  	_ =	shalt  }
0x3f: {  	_ =	shalt  }
0x40: {  	_ =	shalt  }
0x41: {  	_ =	shalt  }
0x42: {  	_ =	shalt  }
0x43: {  	_ =	shalt  }
0x44: {  	_ =	shalt  }
0x45: {  	_ =	shalt  }
0x46: {  	_ =	shalt  }
0x47: {  	_ =	shalt  }
0x48: {  	_ =	shalt  }
0x49: {  	_ =	shalt  }
0x4a: {  	_ =	shalt  }
0x4b: {  	_ =	shalt  }
0x4c: {  	_ =	shalt  }
0x4d: {  	_ =	shalt  }
0x4e: {  	_ =	shalt  }
0x4f: {  	_ =	shalt  }
0x50: {  	_ =	shalt  }
0x51: {  	_ =	shalt  }
0x52: {  	_ =	shalt  }
0x53: {  	_ =	shalt  }
0x54: {  	_ =	shalt  }
0x55: {  	_ =	shalt  }
0x56: {  	_ =	shalt  }
0x57: {  	_ =	shalt  }
0x58: {  	_ =	shalt  }
0x59: {  	_ =	shalt  }
0x5a: {  	_ =	shalt  }
0x5b: {  	_ =	shalt  }
0x5c: {  	_ =	shalt  }
0x5d: {  	_ =	shalt  }
0x5e: {  	_ =	shalt  }
0x5f: {  	_ =	shalt  }
0x60: {  	_ =	shalt  }
0x61: {  	_ =	shalt  }
0x62: {  	_ =	shalt  }
0x63: {  	_ =	shalt  }
0x64: {  	_ =	shalt  }
0x65: {  	_ =	shalt  }
0x66: {  	_ =	shalt  }
0x67: {  	_ =	shalt  }
0x68: {  	_ =	shalt  }
0x69: {  	_ =	shalt  }
0x6a: {  	_ =	shalt  }
0x6b: {  	_ =	shalt  }
0x6c: {  	_ =	shalt  }
0x6d: {  	_ =	shalt  }
0x6e: {  	_ =	shalt  }
0x6f: {  	_ =	shalt  }
0x70: {  	_ =	shalt  }
0x71: {  	_ =	shalt  }
0x72: {  	_ =	shalt  }
0x73: {  	_ =	shalt  }
0x74: {  	_ =	shalt  }
0x75: {  	_ =	shalt  }
0x76: {  	_ =	shalt  }
0x77: {  	_ =	shalt  }
0x78: {  	_ =	shalt  }
0x79: {  	_ =	shalt  }
0x7a: {  	_ =	shalt  }
0x7b: {  	_ =	shalt  }
0x7c: {  	_ =	shalt  }
0x7d: {  	_ =	shalt  }
0x7e: {  	_ =	shalt  }
0x7f: {  	_ =	shalt  }
0x80: {  	_ =	shalt  }
0x81: {  	_ =	shalt  }
0x82: {  	_ =	shalt  }
0x83: {  	_ =	shalt  }
0x84: {  	_ =	shalt  }
0x85: {  	_ =	shalt  }
0x86: {  	_ =	shalt  }
0x87: {  	_ =	shalt  }
.Lfunc_end0:
.L_simem_size_0:
called_computation_lowered:
.L_overlay_start_0:
0x88: {  	s2 =	sld [smem:$0x3FD9]  }
0x89: {  	s3 =	sld [smem:$0x3FFE];
	_ =	sdelay $0x1  }
0x8a: {  	s1 =	srdreg.scid  }
0x8b: {  	s0 =	sand.u32 $0x1, s1  }
0x8c: {  	s17 =	sshll.u32 s0, $0xA;
	s2 =	sadd.s32 s3, s2  }
0x8d: {  	s2 =	sadd.s32 s2, s17  }
0x8e: {  	[smem:$0x3FC2] =	sst s2  }
0x8f: {  	_ = 	snop  }
0x90: {  	s2 =	sld [smem:$0x3FC9]  }
0x91: {  	s18 =	sld [smem:$0x3FD0];
	(tm) =	ssettm $0x1  }
0x92: {  	s4 =	sld [smem:$0x3FFB];
	_ =	sdelay $0x3  }
0x93: {  	_ =	strace s4  }
0x94: {  	s4 =	sld [smem:$0x3FFC];
	_ =	sdelay $0x3  }
0x95: {  	_ =	strace s4  }
0x96: {  	s4 =	sld [smem:$0x3FFD];
	_ =	sdelay $0x3  }
0x97: {  	_ =	strace s4  }
0x98: {  	_ =	strace $0x8FFFFFFF  }
0x99: {  	s19 =	sld [smem:$0x3FDB];
	_ =	sdelay $0x1  }
0x9a: {  	s5 =	simm.s32 $_scs_section_size  }
0x9b: {  	s6 =	simm.s32 $_size__tile_overlayer_lowered;
	s7 =	simm.s32 $_tile_overlayer_lowered  }
0x9c: {  	s22 =	simm.s32 $0x1BFF;
	s21 =	sshll.u32 s7, $0x1;
	s4 =	sadd.s32 s5, s19  }
0x9d: {  	s8 =	simm.s32 $0x0;
	s20 =	sshll.u32 s6, $0x1;
	s6 =	sadd.s32 s21, s4  }
0x9e: {  	[timem:s8], [sflag:s22] =	dma.local [hbm:s6], s20  }
0x9f: {  	_ =	swait.ge [sflag:s22], s20  }
0xa0: {  	s5 =	ssub.s32 $0x0, s20;
	[sflag:s22] =	ssyncset.done $0x0  }
0xa1: {  	[sflag:s22] =	ssyncadd.s32 s5;
	_ =	sdelay $0x1  }
0xa2: {  	s23 =	simm.s32 $0x1B8B  }
0xa3: {  	_ =	swait.ge [sflag:s23], $0x1  }
0xa4: {  	[sflag:s23] =	ssyncset.done $0x0  }
0xa5: {  	s25 =	simm.s32 $0x1B8E;
	s24 =	sld [smem:$0x3FFE];
	[sflag:s23] =	ssyncadd.s32 $0xFFFFFFFF  }
0xa6: {  	s26 =	simm.s32 $execute0_lowered;
	[smem:$0x3FD2] =	sst s25  }
0xa7: {  	s6 =	sshll.u32 s26, $0x1;
	_ =	strace $0x80000046;
	[dreg:$0x1] =	wrdreg $0xFFFFFFFF  }
0xa8: {  	s28 =	simm.s32 $_size_execute0_lowered;
	s4 =	sadd.s32 s4, s6;
	[dreg:$0x0] =	wrdreg $0x0  }
0xa9: {  	s6 =	sshll.u32 s28, $0x1;
	[dreg:$0x2] =	wrdreg s4  }
0xaa: {  	[dreg:$0x3] =	wrdreg s6  }
0xab: {  	[dreg:$0x4] =	wrdreg $0xC0  }
0xac: {  	_ =	task [dreg:s8], $0x5FFFF  }
0xad: {  	[dreg:$0x1] =	wrdreg $0xFFFFFFFF  }
0xae: {  	[dreg:$0x0] =	wrdreg $0x60  }
0xaf: {  	[dreg:$0x2] =	wrdreg s2  }
0xb0: {  	[dreg:$0x3] =	wrdreg s24  }
0xb1: {  	[dreg:$0x4] =	wrdreg s18  }
0xb2: {  	[dreg:$0x5] =	wrdreg $0x9  }
0xb3: {  	_ =	task.clear_ibuf [dreg:s8], $0x6FFFF;
	_ =	strace $0x90000046  }
0xb4: {  	s29 =	simm.s32 $0x9;
	_ =	strace $0x80000048  }
0xb5: {  	_ =	swait.ge [sflag:s29], $0x1  }
0xb6: {  	[sflag:s29] =	ssyncadd.s32 $0xFFFFFFFF  }
0xb7: {  	_ =	strace $0x90000048  }
0xb8: {  	_ =	sfence  }
0xb9: {  	s30 =	sld [smem:$0x0];
	_ =	sdelay $0x2  }
0xba: {  	s31 =	sshll.u32 s1, $0xD;
	s1 =	sshrl.u32 s1, $0x2  }
0xbb: {  	s3 =	sand.u32 $0x4000, s31;
	s1 =	sadd.s32 s1, s30  }
0xbc: {  	s0 =	sor.u32 s3, s0;
	s1 =	sshll.u32 s1, $0x11  }
0xbd: {  	s0 =	sor.u32 s1, s0  }
0xbe: {  	s0 =	sadd.s32 $0x8F2B, s0  }
0xbf: {  	[sflag:s0] =	ssyncadd.remote.s32 $0x1  }
0xc0: {  	_ =	sfence.sel $0xFFFF  }
0xc1: {  	[dreg:$0x0] =	wrdreg $0xFFFFFFFF;
	(pc) =	sbr.abs _section_cstart, $3  }
0xc2: {  	[dreg:$0x1] =	wrdreg $0xFFFFFFFF  }
0xc3: {  	_ =	task.clear_ibuf [dreg:s8], $0x2FFFF;
	_ =	strace $0x9FFFFFFF  }
0xc4: {  	(tm) =	ssettm $0x7FFFFFFF  }
0xc5: {  	_ =	shalt  }
tec
execute0_lowered:
.L_overlay_start_1:
0x0: {  	(tag) =	ssettag $0x1  }
0x1: {  	s0 =	rddreg [dreg:$0x0]  }
0x2: {  	s1 =	rddreg [dreg:$0x1]  }
0x3: {  	s4 =	rddreg [dreg:$0x2]  }
0x4: {  	s2 =	srdreg.scid;
	s9 =	stileid.u32;
	s30 =	simm.s32 $0x1200  }
0x5: {  	s31 =	simm.s32 $0x1A00;
	s11 =	simm.s32 $0x3A00;
	s12 =	simm.s32 $0x4200  }
0x6: {  	s14 =	simm.s32 $0x4A00;
	s15 =	simm.s32 $0x5200;
	s16 =	simm.s32 $0x5A00  }
0x7: {  	s17 =	simm.s32 $0x6200;
	s18 =	simm.s32 $0x6A00;
	s19 =	simm.s32 $0x7200  }
0x8: {  	s20 =	simm.s32 $0x7A00;
	s21 =	simm.s32 $0x8200;
	s13 =	simm.s32 $0x9A00  }
0x9: {  	s28 =	simm.s32 $0xAA00;
	s29 =	simm.s32 $0xB200;
	s5 =	sand.u32 $0x1, s2  }
0xa: {  	s2 =	simm.s32 $0x0;
	s6 =	sshll.u32 s9, $0x7;
	s7 =	sadd.s32 $0x1600, s1  }
0xb: {  	s23 =	sshll.u32 s9, $0xE;
	s25 =	sadd.s32 $0x1E00, s1;
	s9 =	simm.s32 $0x2  }
0xc: {  	s3 =	sshll.u32 s5, $0x3;
	[smem:$0x7FF] =	sst s2;
	s22 =	ssub.s32 $0x2, s5  }
0xd: {  	s5 =	sshll.u32 s5, $0xD;
	s6 =	sor.u32 s3, s6;
	_ =	strace $0x80000047  }
0xe: {  	s0 =	sadd.s32 s0, s5;
	s24 =	sshrl.u32 s22, $0x1;
	[dreg:$0x9] =	wrdreg s25  }
0xf: {  	s5 =	sadd.s32 $0x2300, s1;
	s3 =	sadd.s32 s7, s6;
	s8 =	sor.u32 $0x10, s6  }
0x10: {  	s6 =	sadd.s32 s4, s6;
	s0 =	sadd.s32 s23, s0;
	s26 =	ssub.s32 s22, s24  }
0x11: {  	s23 =	simm.s32 $0x1;
	s22 =	simm.s32 $0x8A00;
	[dreg:$0x4] =	wrdreg s3  }
0x12: {  	s24 =	simm.s32 $0x9200;
	s7 =	sadd.s32 s7, s8;
	[dreg:$0x6] =	wrdreg s6  }
0x13: {  	v2 =	vlaneseq.u32;
	s3 =	sadd.s32 $0x2200, s1;
	s4 =	sadd.s32 s4, s8;
	[dreg:$0x8] =	wrdreg s0  }
0x14: {  	vm0 =	vmmov $0xffff;
	v1 =	vshrl.u32 v2, $0x3;
	s6 =	sadd.s32 $0x2400, s1;
	s8 =	smax.u32 s26, $0x1;
	[dreg:$0x5] =	wrdreg s7  }
0x15: {  	v0 =	vand.u32 $0x7, v2;
	v2 =	vor.u32 $0x8, v2;
	v1 =	vmul.u32 $0x8, v1;
	s26 =	simm.s32 $0xA200;
	[dreg:$0x7] =	wrdreg s4;
	s7 =	sadd.s32 $0x2500, s1  }
.LBB2_1:
0x16: {  	s25 =	rddreg [dreg:$0x4]  }
0x17: {  	[tilespmem:s2], [sflag:$0x2] =	stream.linear.gather [hbm4b:s25+s2], $0x40, $0x38;
	[tilespmem:$0x10200] =	vst v63  }
0x18: {  	_ =	swait.ge [sflag:s9], $0x40  }
0x19: {  	[sflag:s9] =	ssyncset.done $0x0  }
0x1a: {  	s0 =	simm.s32 $0x80;
	s10 =	rddreg [dreg:$0x5];
	[sflag:s9] =	ssyncadd.s32 $0xFFFFFFC0  }
0x1b: {  	[tilespmem:s0], [sflag:$0x2] =	stream.linear.gather [hbm4b:s10+s2], $0x40, $0x38;
	[tilespmem:$0x10200] =	vst v63  }
0x1c: {  	_ =	swait.ge [sflag:s9], $0x40  }
0x1d: {  	[sflag:s9] =	ssyncset.done $0x0  }
0x1e: {  	s1 =	simm.s32 $0x100;
	s0 =	rddreg [dreg:$0x6];
	[sflag:s9] =	ssyncadd.s32 $0xFFFFFFC0  }
0x1f: {  	[tilespmem:s1], [sflag:$0x2] =	stream.linear.gather [hbm4b:s0+s2], $0x40, $0x38;
	[tilespmem:$0x10200] =	vst v63  }
0x20: {  	_ =	swait.ge [sflag:s9], $0x40  }
0x21: {  	[sflag:s9] =	ssyncset.done $0x0  }
0x22: {  	s10 =	simm.s32 $0x180;
	s4 =	rddreg [dreg:$0x7];
	[sflag:s9] =	ssyncadd.s32 $0xFFFFFFC0  }
0x23: {  	[tilespmem:s10], [sflag:$0x2] =	stream.linear.gather [hbm4b:s4+s2], $0x40, $0x38;
	[tilespmem:$0x10200] =	vst v63  }
0x24: {  	_ =	swait.ge [sflag:s9], $0x40  }
0x25: {  	[sflag:s9] =	ssyncset.done $0x0  }
0x26: {  	s4 =	simm.s32 $0x200;
	s0 =	rddreg [dreg:$0x8];
	[sflag:s9] =	ssyncadd.s32 $0xFFFFFFC0  }
0x27: {  	[tilespmem:s4], [sflag:$0x2] =	stream.linear.gather [hbm4b:s0+s2], $0x10000, $0x38;
	[tilespmem:$0x10200] =	vst v63  }
0x28: {  	_ =	swait.ge [sflag:s9], $0x10000  }
0x29: {  	[sflag:s9] =	ssyncset.done $0x0  }
0x2a: {  	[sflag:s9] =	ssyncadd.s32 $0xFFFF0000  }
0x2b: {  	v3 =	vld [tilespmem:$0x0];
	_ =	sdelay $0x4  }
0x2c: {  	v4 =	vshll.u32 v3, $0x3  }
0x2d: {  	v3 =	vand.u32 $0x7, v3;
	v4 =	vand.u32 $0xFFFFFFC0, v4  }
0x2e: {  	v3 =	vor.u32 v3, v4  }
0x2f: {  	v4 =	vperm.xlane v3, v0;
	_ =	sdelay $0x1  }
0x30: {  	v4 =	vadd.s32 v1, v4;
	_ =	sdelay $0x4  }
0x31: {  	[hbm4b:s3+s2] =	stream.indirect_vreg.scatter [tilespmem:s4], [sflag:$0x1], $0x80, v4, vm0, $0xb8;
	[tilespmem:$0x10200] =	vst v63  }
0x32: {  	s25 =	simm.s32 $0xA00;
	v3 =	vperm.xlane v3, v2  }
0x33: {  	[hbm4b:s5+s2] =	stream.indirect_vreg.scatter [tilespmem:s25], [sflag:$0x1], $0x80, v4, vm0, $0xb8;
	[tilespmem:$0x10200] =	vst v63  }
0x34: {  	v3 =	vadd.s32 v1, v3  }
0x35: {  	[hbm4b:s6+s2] =	stream.indirect_vreg.scatter [tilespmem:s30], [sflag:$0x1], $0x80, v4, vm0, $0xb8;
	[tilespmem:$0x10200] =	vst v63  }
0x36: {  	_ = 	snop  }
0x37: {  	[hbm4b:s7+s2] =	stream.indirect_vreg.scatter [tilespmem:s31], [sflag:$0x1], $0x80, v4, vm0, $0xb8;
	[tilespmem:$0x10200] =	vst v63  }
0x38: {  	s1 =	simm.s32 $0x2200  }
0x39: {  	[hbm4b:s3+s2] =	stream.indirect_vreg.scatter [tilespmem:s1], [sflag:$0x1], $0x80, v3, vm0, $0xb8;
	[tilespmem:$0x10200] =	vst v63  }
0x3a: {  	s1 =	simm.s32 $0x2A00  }
0x3b: {  	[hbm4b:s5+s2] =	stream.indirect_vreg.scatter [tilespmem:s1], [sflag:$0x1], $0x80, v3, vm0, $0xb8;
	[tilespmem:$0x10200] =	vst v63  }
0x3c: {  	s10 =	simm.s32 $0x3200  }
0x3d: {  	[hbm4b:s6+s2] =	stream.indirect_vreg.scatter [tilespmem:s10], [sflag:$0x1], $0x80, v3, vm0, $0xb8;
	[tilespmem:$0x10200] =	vst v63  }
0x3e: {  	_ = 	snop  }
0x3f: {  	[hbm4b:s7+s2] =	stream.indirect_vreg.scatter [tilespmem:s11], [sflag:$0x1], $0x80, v3, vm0, $0xb8;
	[tilespmem:$0x10200] =	vst v63  }
0x40: {  	v3 =	vld [tilespmem:$0x10];
	_ =	sdelay $0x4  }
0x41: {  	v57 =	vshll.u32 v3, $0x3  }
0x42: {  	v3 =	vand.u32 $0x7, v3;
	v4 =	vand.u32 $0xFFFFFFC0, v57  }
0x43: {  	v3 =	vor.u32 v3, v4  }
0x44: {  	v4 =	vperm.xlane v3, v0;
	_ =	sdelay $0x1  }
0x45: {  	v4 =	vadd.s32 v1, v4;
	_ =	sdelay $0x4  }
0x46: {  	[hbm4b:s3+s2] =	stream.indirect_vreg.scatter [tilespmem:s12], [sflag:$0x1], $0x80, v4, vm0, $0xb8;
	[tilespmem:$0x10200] =	vst v63  }
0x47: {  	v3 =	vperm.xlane v3, v2  }
0x48: {  	[hbm4b:s5+s2] =	stream.indirect_vreg.scatter [tilespmem:s14], [sflag:$0x1], $0x80, v4, vm0, $0xb8;
	[tilespmem:$0x10200] =	vst v63  }
0x49: {  	v3 =	vadd.s32 v1, v3  }
0x4a: {  	[hbm4b:s6+s2] =	stream.indirect_vreg.scatter [tilespmem:s15], [sflag:$0x1], $0x80, v4, vm0, $0xb8;
	[tilespmem:$0x10200] =	vst v63  }
0x4b: {  	_ = 	snop  }
0x4c: {  	[hbm4b:s7+s2] =	stream.indirect_vreg.scatter [tilespmem:s16], [sflag:$0x1], $0x80, v4, vm0, $0xb8;
	[tilespmem:$0x10200] =	vst v63  }
0x4d: {  	_ = 	snop  }
0x4e: {  	[hbm4b:s3+s2] =	stream.indirect_vreg.scatter [tilespmem:s17], [sflag:$0x1], $0x80, v3, vm0, $0xb8;
	[tilespmem:$0x10200] =	vst v63  }
0x4f: {  	_ = 	snop  }
0x50: {  	[hbm4b:s5+s2] =	stream.indirect_vreg.scatter [tilespmem:s18], [sflag:$0x1], $0x80, v3, vm0, $0xb8;
	[tilespmem:$0x10200] =	vst v63  }
0x51: {  	_ = 	snop  }
0x52: {  	[hbm4b:s6+s2] =	stream.indirect_vreg.scatter [tilespmem:s19], [sflag:$0x1], $0x80, v3, vm0, $0xb8;
	[tilespmem:$0x10200] =	vst v63  }
0x53: {  	_ = 	snop  }
0x54: {  	[hbm4b:s7+s2] =	stream.indirect_vreg.scatter [tilespmem:s20], [sflag:$0x1], $0x80, v3, vm0, $0xb8;
	[tilespmem:$0x10200] =	vst v63  }
0x55: {  	v3 =	vld [tilespmem:$0x20];
	_ =	sdelay $0x4  }
0x56: {  	v58 =	vshll.u32 v3, $0x3  }
0x57: {  	v3 =	vand.u32 $0x7, v3;
	v4 =	vand.u32 $0xFFFFFFC0, v58  }
0x58: {  	v3 =	vor.u32 v3, v4  }
0x59: {  	v4 =	vperm.xlane v3, v0;
	_ =	sdelay $0x1  }
0x5a: {  	v4 =	vadd.s32 v1, v4;
	_ =	sdelay $0x4  }
0x5b: {  	[hbm4b:s3+s2] =	stream.indirect_vreg.scatter [tilespmem:s21], [sflag:$0x1], $0x80, v4, vm0, $0xb8;
	[tilespmem:$0x10200] =	vst v63  }
0x5c: {  	v3 =	vperm.xlane v3, v2  }
0x5d: {  	[hbm4b:s5+s2] =	stream.indirect_vreg.scatter [tilespmem:s22], [sflag:$0x1], $0x80, v4, vm0, $0xb8;
	[tilespmem:$0x10200] =	vst v63  }
0x5e: {  	v3 =	vadd.s32 v1, v3  }
0x5f: {  	[hbm4b:s6+s2] =	stream.indirect_vreg.scatter [tilespmem:s24], [sflag:$0x1], $0x80, v4, vm0, $0xb8;
	[tilespmem:$0x10200] =	vst v63  }
0x60: {  	_ = 	snop  }
0x61: {  	[hbm4b:s7+s2] =	stream.indirect_vreg.scatter [tilespmem:s13], [sflag:$0x1], $0x80, v4, vm0, $0xb8;
	[tilespmem:$0x10200] =	vst v63  }
0x62: {  	_ = 	snop  }
0x63: {  	[hbm4b:s3+s2] =	stream.indirect_vreg.scatter [tilespmem:s26], [sflag:$0x1], $0x80, v3, vm0, $0xb8;
	[tilespmem:$0x10200] =	vst v63  }
0x64: {  	_ = 	snop  }
0x65: {  	[hbm4b:s5+s2] =	stream.indirect_vreg.scatter [tilespmem:s28], [sflag:$0x1], $0x80, v3, vm0, $0xb8;
	[tilespmem:$0x10200] =	vst v63  }
0x66: {  	_ = 	snop  }
0x67: {  	[hbm4b:s6+s2] =	stream.indirect_vreg.scatter [tilespmem:s29], [sflag:$0x1], $0x80, v3, vm0, $0xb8;
	[tilespmem:$0x10200] =	vst v63  }
0x68: {  	s0 =	simm.s32 $0xBA00  }
0x69: {  	[hbm4b:s7+s2] =	stream.indirect_vreg.scatter [tilespmem:s0], [sflag:$0x1], $0x80, v3, vm0, $0xb8;
	[tilespmem:$0x10200] =	vst v63  }
0x6a: {  	v3 =	vld [tilespmem:$0x30];
	_ =	sdelay $0x4  }
0x6b: {  	v59 =	vshll.u32 v3, $0x3  }
0x6c: {  	v3 =	vand.u32 $0x7, v3;
	v4 =	vand.u32 $0xFFFFFFC0, v59  }
0x6d: {  	v3 =	vor.u32 v3, v4  }
0x6e: {  	v4 =	vperm.xlane v3, v0;
	_ =	sdelay $0x1  }
0x6f: {  	v4 =	vadd.s32 v1, v4;
	_ =	sdelay $0x3  }
0x70: {  	s0 =	simm.s32 $0xC200  }
0x71: {  	[hbm4b:s3+s2] =	stream.indirect_vreg.scatter [tilespmem:s0], [sflag:$0x1], $0x80, v4, vm0, $0xb8;
	[tilespmem:$0x10200] =	vst v63  }
0x72: {  	v3 =	vperm.xlane v3, v2;
	s0 =	simm.s32 $0xCA00  }
0x73: {  	[hbm4b:s5+s2] =	stream.indirect_vreg.scatter [tilespmem:s0], [sflag:$0x1], $0x80, v4, vm0, $0xb8;
	[tilespmem:$0x10200] =	vst v63  }
0x74: {  	v3 =	vadd.s32 v1, v3;
	s0 =	simm.s32 $0xD200  }
0x75: {  	[hbm4b:s6+s2] =	stream.indirect_vreg.scatter [tilespmem:s0], [sflag:$0x1], $0x80, v4, vm0, $0xb8;
	[tilespmem:$0x10200] =	vst v63  }
0x76: {  	s0 =	simm.s32 $0xDA00  }
0x77: {  	[hbm4b:s7+s2] =	stream.indirect_vreg.scatter [tilespmem:s0], [sflag:$0x1], $0x80, v4, vm0, $0xb8;
	[tilespmem:$0x10200] =	vst v63  }
0x78: {  	s0 =	simm.s32 $0xE200  }
0x79: {  	[hbm4b:s3+s2] =	stream.indirect_vreg.scatter [tilespmem:s0], [sflag:$0x1], $0x80, v3, vm0, $0xb8;
	[tilespmem:$0x10200] =	vst v63  }
0x7a: {  	s0 =	simm.s32 $0xEA00  }
0x7b: {  	[hbm4b:s5+s2] =	stream.indirect_vreg.scatter [tilespmem:s0], [sflag:$0x1], $0x80, v3, vm0, $0xb8;
	[tilespmem:$0x10200] =	vst v63  }
0x7c: {  	s0 =	simm.s32 $0xF200  }
0x7d: {  	[hbm4b:s6+s2] =	stream.indirect_vreg.scatter [tilespmem:s0], [sflag:$0x1], $0x80, v3, vm0, $0xb8;
	[tilespmem:$0x10200] =	vst v63  }
0x7e: {  	s0 =	simm.s32 $0xFA00  }
0x7f: {  	[hbm4b:s7+s2] =	stream.indirect_vreg.scatter [tilespmem:s0], [sflag:$0x1], $0x80, v3, vm0, $0xb8;
	[tilespmem:$0x10200] =	vst v63  }
0x80: {  	_ =	swait.ge [sflag:s23], $0x10000  }
0x81: {  	[sflag:s23] =	ssyncset.done $0x0  }
0x82: {  	[sflag:s23] =	ssyncadd.s32 $0xFFFF0000  }
0x83: {  	v3 =	vld [tilespmem:$0x80];
	_ =	sdelay $0x4  }
0x84: {  	v60 =	vshll.u32 v3, $0x3  }
0x85: {  	v3 =	vand.u32 $0x7, v3;
	v4 =	vand.u32 $0xFFFFFFC0, v60  }
0x86: {  	v3 =	vor.u32 v3, v4  }
0x87: {  	v4 =	vperm.xlane v3, v0;
	_ =	sdelay $0x1  }
0x88: {  	v4 =	vadd.s32 v1, v4;
	_ =	sdelay $0x4  }
0x89: {  	[hbm4b:s3+s2] =	stream.indirect_vreg.scatter [tilespmem:s4], [sflag:$0x1], $0x80, v4, vm0, $0xb8;
	[tilespmem:$0x10200] =	vst v63  }
0x8a: {  	v3 =	vperm.xlane v3, v2  }
0x8b: {  	[hbm4b:s5+s2] =	stream.indirect_vreg.scatter [tilespmem:s25], [sflag:$0x1], $0x80, v4, vm0, $0xb8;
	[tilespmem:$0x10200] =	vst v63  }
0x8c: {  	v3 =	vadd.s32 v1, v3  }
0x8d: {  	[hbm4b:s6+s2] =	stream.indirect_vreg.scatter [tilespmem:s30], [sflag:$0x1], $0x80, v4, vm0, $0xb8;
	[tilespmem:$0x10200] =	vst v63  }
0x8e: {  	_ = 	snop  }
0x8f: {  	[hbm4b:s7+s2] =	stream.indirect_vreg.scatter [tilespmem:s31], [sflag:$0x1], $0x80, v4, vm0, $0xb8;
	[tilespmem:$0x10200] =	vst v63  }
0x90: {  	s4 =	simm.s32 $0x2200  }
0x91: {  	[hbm4b:s3+s2] =	stream.indirect_vreg.scatter [tilespmem:s4], [sflag:$0x1], $0x80, v3, vm0, $0xb8;
	[tilespmem:$0x10200] =	vst v63  }
0x92: {  	_ = 	snop  }
0x93: {  	[hbm4b:s5+s2] =	stream.indirect_vreg.scatter [tilespmem:s1], [sflag:$0x1], $0x80, v3, vm0, $0xb8;
	[tilespmem:$0x10200] =	vst v63  }
0x94: {  	_ = 	snop  }
0x95: {  	[hbm4b:s6+s2] =	stream.indirect_vreg.scatter [tilespmem:s10], [sflag:$0x1], $0x80, v3, vm0, $0xb8;
	[tilespmem:$0x10200] =	vst v63  }
0x96: {  	_ = 	snop  }
0x97: {  	[hbm4b:s7+s2] =	stream.indirect_vreg.scatter [tilespmem:s11], [sflag:$0x1], $0x80, v3, vm0, $0xb8;
	[tilespmem:$0x10200] =	vst v63  }
0x98: {  	v3 =	vld [tilespmem:$0x90];
	_ =	sdelay $0x4  }
0x99: {  	v61 =	vshll.u32 v3, $0x3  }
0x9a: {  	v3 =	vand.u32 $0x7, v3;
	v4 =	vand.u32 $0xFFFFFFC0, v61  }
0x9b: {  	v3 =	vor.u32 v3, v4  }
0x9c: {  	v4 =	vperm.xlane v3, v0;
	_ =	sdelay $0x1  }
0x9d: {  	v4 =	vadd.s32 v1, v4;
	_ =	sdelay $0x4  }
0x9e: {  	[hbm4b:s3+s2] =	stream.indirect_vreg.scatter [tilespmem:s12], [sflag:$0x1], $0x80, v4, vm0, $0xb8;
	[tilespmem:$0x10200] =	vst v63  }
0x9f: {  	v3 =	vperm.xlane v3, v2  }
0xa0: {  	[hbm4b:s5+s2] =	stream.indirect_vreg.scatter [tilespmem:s14], [sflag:$0x1], $0x80, v4, vm0, $0xb8;
	[tilespmem:$0x10200] =	vst v63  }
0xa1: {  	v3 =	vadd.s32 v1, v3  }
0xa2: {  	[hbm4b:s6+s2] =	stream.indirect_vreg.scatter [tilespmem:s15], [sflag:$0x1], $0x80, v4, vm0, $0xb8;
	[tilespmem:$0x10200] =	vst v63  }
0xa3: {  	_ = 	snop  }
0xa4: {  	[hbm4b:s7+s2] =	stream.indirect_vreg.scatter [tilespmem:s16], [sflag:$0x1], $0x80, v4, vm0, $0xb8;
	[tilespmem:$0x10200] =	vst v63  }
0xa5: {  	_ = 	snop  }
0xa6: {  	[hbm4b:s3+s2] =	stream.indirect_vreg.scatter [tilespmem:s17], [sflag:$0x1], $0x80, v3, vm0, $0xb8;
	[tilespmem:$0x10200] =	vst v63  }
0xa7: {  	_ = 	snop  }
0xa8: {  	[hbm4b:s5+s2] =	stream.indirect_vreg.scatter [tilespmem:s18], [sflag:$0x1], $0x80, v3, vm0, $0xb8;
	[tilespmem:$0x10200] =	vst v63  }
0xa9: {  	_ = 	snop  }
0xaa: {  	[hbm4b:s6+s2] =	stream.indirect_vreg.scatter [tilespmem:s19], [sflag:$0x1], $0x80, v3, vm0, $0xb8;
	[tilespmem:$0x10200] =	vst v63  }
0xab: {  	_ = 	snop  }
0xac: {  	[hbm4b:s7+s2] =	stream.indirect_vreg.scatter [tilespmem:s20], [sflag:$0x1], $0x80, v3, vm0, $0xb8;
	[tilespmem:$0x10200] =	vst v63  }
0xad: {  	v3 =	vld [tilespmem:$0xA0];
	_ =	sdelay $0x4  }
0xae: {  	v62 =	vshll.u32 v3, $0x3  }
0xaf: {  	v3 =	vand.u32 $0x7, v3;
	v4 =	vand.u32 $0xFFFFFFC0, v62  }
0xb0: {  	v3 =	vor.u32 v3, v4  }
0xb1: {  	v4 =	vperm.xlane v3, v0;
	_ =	sdelay $0x1  }
0xb2: {  	v4 =	vadd.s32 v1, v4;
	_ =	sdelay $0x4  }
0xb3: {  	[hbm4b:s3+s2] =	stream.indirect_vreg.scatter [tilespmem:s21], [sflag:$0x1], $0x80, v4, vm0, $0xb8;
	[tilespmem:$0x10200] =	vst v63  }
0xb4: {  	v3 =	vperm.xlane v3, v2  }
0xb5: {  	[hbm4b:s5+s2] =	stream.indirect_vreg.scatter [tilespmem:s22], [sflag:$0x1], $0x80, v4, vm0, $0xb8;
	[tilespmem:$0x10200] =	vst v63  }
0xb6: {  	v3 =	vadd.s32 v1, v3  }
0xb7: {  	[hbm4b:s6+s2] =	stream.indirect_vreg.scatter [tilespmem:s24], [sflag:$0x1], $0x80, v4, vm0, $0xb8;
	[tilespmem:$0x10200] =	vst v63  }
0xb8: {  	_ = 	snop  }
0xb9: {  	[hbm4b:s7+s2] =	stream.indirect_vreg.scatter [tilespmem:s13], [sflag:$0x1], $0x80, v4, vm0, $0xb8;
	[tilespmem:$0x10200] =	vst v63  }
0xba: {  	_ = 	snop  }
0xbb: {  	[hbm4b:s3+s2] =	stream.indirect_vreg.scatter [tilespmem:s26], [sflag:$0x1], $0x80, v3, vm0, $0xb8;
	[tilespmem:$0x10200] =	vst v63  }
0xbc: {  	_ = 	snop  }
0xbd: {  	[hbm4b:s5+s2] =	stream.indirect_vreg.scatter [tilespmem:s28], [sflag:$0x1], $0x80, v3, vm0, $0xb8;
	[tilespmem:$0x10200] =	vst v63  }
0xbe: {  	_ = 	snop  }
0xbf: {  	[hbm4b:s6+s2] =	stream.indirect_vreg.scatter [tilespmem:s29], [sflag:$0x1], $0x80, v3, vm0, $0xb8;
	[tilespmem:$0x10200] =	vst v63  }
0xc0: {  	s10 =	simm.s32 $0xBA00  }
0xc1: {  	[hbm4b:s7+s2] =	stream.indirect_vreg.scatter [tilespmem:s10], [sflag:$0x1], $0x80, v3, vm0, $0xb8;
	[tilespmem:$0x10200] =	vst v63  }
0xc2: {  	v3 =	vld [tilespmem:$0xB0];
	_ =	sdelay $0x4  }
0xc3: {  	v63 =	vshll.u32 v3, $0x3  }
0xc4: {  	v3 =	vand.u32 $0x7, v3;
	v4 =	vand.u32 $0xFFFFFFC0, v63  }
0xc5: {  	v3 =	vor.u32 v3, v4  }
0xc6: {  	v4 =	vperm.xlane v3, v0;
	_ =	sdelay $0x1  }
0xc7: {  	v4 =	vadd.s32 v1, v4;
	_ =	sdelay $0x3  }
0xc8: {  	s25 =	simm.s32 $0xC200  }
0xc9: {  	[hbm4b:s3+s2] =	stream.indirect_vreg.scatter [tilespmem:s25], [sflag:$0x1], $0x80, v4, vm0, $0xb8;
	[tilespmem:$0x10200] =	vst v63  }
0xca: {  	s1 =	simm.s32 $0xCA00;
	v3 =	vperm.xlane v3, v2  }
0xcb: {  	[hbm4b:s5+s2] =	stream.indirect_vreg.scatter [tilespmem:s1], [sflag:$0x1], $0x80, v4, vm0, $0xb8;
	[tilespmem:$0x10200] =	vst v63  }
0xcc: {  	s4 =	simm.s32 $0xD200;
	v3 =	vadd.s32 v1, v3  }
0xcd: {  	[hbm4b:s6+s2] =	stream.indirect_vreg.scatter [tilespmem:s4], [sflag:$0x1], $0x80, v4, vm0, $0xb8;
	[tilespmem:$0x10200] =	vst v63  }
0xce: {  	s10 =	simm.s32 $0xDA00  }
0xcf: {  	[hbm4b:s7+s2] =	stream.indirect_vreg.scatter [tilespmem:s10], [sflag:$0x1], $0x80, v4, vm0, $0xb8;
	[tilespmem:$0x10200] =	vst v63  }
0xd0: {  	s25 =	simm.s32 $0xE200  }
0xd1: {  	[hbm4b:s3+s2] =	stream.indirect_vreg.scatter [tilespmem:s25], [sflag:$0x1], $0x80, v3, vm0, $0xb8;
	[tilespmem:$0x10200] =	vst v63  }
0xd2: {  	s1 =	simm.s32 $0xEA00  }
0xd3: {  	[hbm4b:s5+s2] =	stream.indirect_vreg.scatter [tilespmem:s1], [sflag:$0x1], $0x80, v3, vm0, $0xb8;
	[tilespmem:$0x10200] =	vst v63  }
0xd4: {  	s4 =	simm.s32 $0xF200  }
0xd5: {  	[hbm4b:s6+s2] =	stream.indirect_vreg.scatter [tilespmem:s4], [sflag:$0x1], $0x80, v3, vm0, $0xb8;
	[tilespmem:$0x10200] =	vst v63  }
0xd6: {  	s10 =	simm.s32 $0xFA00  }
0xd7: {  	[hbm4b:s7+s2] =	stream.indirect_vreg.scatter [tilespmem:s10], [sflag:$0x1], $0x80, v3, vm0, $0xb8;
	[tilespmem:$0x10200] =	vst v63  }
0xd8: {  	_ =	swait.ge [sflag:s23], $0x10000  }
0xd9: {  	s25 =	simm.s32 $0x100;
	[sflag:s23] =	ssyncset.done $0x0  }
0xda: {  	s1 =	simm.s32 $0x40;
	s0 =	rddreg [dreg:$0x9];
	[sflag:s23] =	ssyncadd.s32 $0xFFFF0000  }
0xdb: {  	[hbm4b:s0+s1] =	stream.indirect.scatter [tilespmem:s25], [sflag:$0x1], $0x1, s2, s1, $0xb8;
	[tilespmem:$0x10200] =	vst v63  }
0xdc: {  	_ =	swait.ge [sflag:s23], $0x40  }
0xdd: {  	p0 =	sne.s32 s8, $0x1;
	s10 =	simm.s32 $0x80;
	[sflag:s23] =	ssyncset.done $0x0  }
.Ltmp0:
0xde: {  	s25 =	simm.s32 $0x180;
	[sflag:s23] =	ssyncadd.s32 $0xFFFFFFC0;
	(pc) =	sbr.rel @p0 .LBB2_1-.Ltmp0, $4  }
0xdf: {  	[hbm4b:s0+s1] =	stream.indirect.scatter [tilespmem:s25], [sflag:$0x1], $0x1, s10, s1, $0xb8;
	[tilespmem:$0x10200] =	vst v63  }
0xe0: {  	_ =	swait.ge [sflag:s23], $0x40  }
0xe1: {  	[sflag:s23] =	ssyncset.done $0x0  }
0xe2: {  	s8 =	sadd.s32 $0xFFFFFFFF, s8;
	[sflag:s23] =	ssyncadd.s32 $0xFFFFFFC0  }
0xe3: {  	_ =	sfence.sel $0x180000  }
0xe4: {  	[bflag:$0x0] =	sbarrier.arrive $0xFFFF  }
0xe5: {  	_ =	strace $0x90000047  }
0xe6: {  	s0 =	stileid.u32;
	[bflag:$0x2] =	sbarrier.arrive $0xFFFF  }
0xe7: {  	p0 =	sne.s32 s0, $0x0;
	s0 =	rddreg [dreg:$0x3]  }
0xe8: {  	s0 =	sadd.s32 @!p0 $0x100000, s0  }
0xe9: {  	[sflag:s0] =	ssyncadd.tile.s32 @!p0 $0x1;
	_ =	shalt  }
.Lfunc_end2:
_tile_overlayer_lowered:
.L_overlay_start_2:
0xea: {  	(tag) =	ssettag $0x2  }
0xeb: {  	s0 =	rddreg [dreg:$0x0];
	s2 =	stileid.u32  }
0xec: {  	s1 =	rddreg [dreg:$0x1];
	p0 =	sne.s32 s2, $0x0  }
0xed: {  	s3 =	rddreg [dreg:$0x2];
	[bflag:$0x3] =	sbarrier.arrive $0xFFFF;
	s2 =	simm.s32 @!p0 $0x1C02  }
0xee: {  	[timem:s3], [sflag:s2] =	dma.local @!p0 [hbm:s0], s1  }
0xef: {  	s0 =	simm.s32 @!p0 $0x2  }
0xf0: {  	_ =	swait.ge @!p0 [sflag:s0], s1  }
0xf1: {  	s1 =	ssub.s32 @!p0 $0x0, s1;
	[sflag:s0] =	ssyncset.done @!p0 $0x0  }
0xf2: {  	[sflag:s0] =	ssyncadd.s32 @!p0 s1  }
0xf3: {  	[bflag:$0x3] =	sbarrier.arrive $0xFFFF  }
0xf4: {  	_ =	shalt  }

// kernel: kernel.9.cloned.1.call-start
scs
__scs_entry_jumppad:
0x0: {  	(pc) =	sbr.rel $0x88, $3  }
0x1: {  	(tag) =	ssettag $0x0;
	lr =	simm.s32 $0x1  }
0x2: {  	[smem:$0x3F9B] =	sst lr;
	_ =	strace $0xD0000000  }
0x3: {  	_ = 	snop  }
0x4: {  	_ = 	snop  }
0x5: {  	_ = 	snop  }
0x6: {  	_ = 	snop  }
0x7: {  	_ = 	snop  }
__scs_overlays_trampoline_lowered:
0x8: {  	[smem:$0x3FAA] =	sst s0  }
0x9: {  	[smem:$0x3FAB] =	sst s1  }
0xa: {  	[smem:$0x3FAC] =	sst s2  }
0xb: {  	[smem:$0x3FAD] =	sst s3  }
0xc: {  	[smem:$0x3FAE] =	sst s4  }
0xd: {  	[smem:$0x3FAF] =	sst s5  }
0xe: {  	[smem:$0x3FB0] =	sst s6  }
0xf: {  	[smem:$0x3FB1] =	sst s7  }
0x10: {  	[smem:$0x3FB2] =	sst s8  }
0x11: {  	[smem:$0x3FB3] =	sst s9;
	s0 =	simm.s32 @!p0 $0x0  }
0x12: {  	s1 =	sld [smem:$0x3F99];
	s0 =	simm.s32 @p0 $0x1  }
0x13: {  	[smem:$0x3FB4] =	sst s0;
	s0 =	simm.s32 @!p1 $0x0  }
0x14: {  	s2 =	sld [smem:$0x3F98];
	s0 =	simm.s32 @p1 $0x1  }
0x15: {  	[smem:$0x3FB5] =	sst s0;
	s0 =	simm.s32 @!p2 $0x0  }
0x16: {  	s3 =	sld [smem:$0x3FDB];
	s0 =	simm.s32 @p2 $0x1  }
0x17: {  	s4 =	simm.s32 $0x1BF5;
	[smem:$0x3FB7] =	sst s0  }
0x18: {  	s0 =	sld [smem:$0x3F9A];
	_ =	swait.ge [sflag:s4], $0x0  }
0x19: {  	s7 =	sld [smem:$0x3F9B]  }
0x1a: {  	s8 =	sadd.s32 $0xFFFFE003, lr  }
0x1b: {  	s9 =	sadd.s32 $0xFFFFFEF7, lr;
	s5 =	simm.s32 $0xFFFFFFFF;
	p2 =	slt.u32 s8, $0xFFFFF086  }
0x1c: {  	p1 =	slt.u32 s9, $0xF7A;
	s5 =	simm.s32 @!p2 $0x0  }
0x1d: {  	s5 =	simm.s32 @p1 $0x1;
	p0 =	seq.s32 s7, s2  }
0x1e: {  	s7 =	smul.u32 @!p0 $0xF7A, s2;
	p2 =	seq.s32 @!p0 s5, $0x0  }
0x1f: {  	s9 =	smul.u32 $0xF7A, s1;
	s8 =	simm.s32 @!p0 $0x1BF5;
	p2 =	por !p2, p0  }
0x20: {  	[sflag:s8] =	ssyncset.s32 @!p0 $0xFFFFF086;
	s6 =	sadd.s32 @!p0 s3, s7;
	s7 =	simm.s32 @!p0 $0x108  }
0x21: {  	s3 =	sadd.s32 s3, s9;
	s6 =	sadd.s32 @!p0 $0x88, s6;
	s7 =	simm.s32 @p2 $0x1082  }
0x22: {  	[simem:s7], [sflag:s8] =	dma.local @!p0 [hbm:s6], $0xF7A  }
0x23: {  	s9 =	sor.u32 $0xD0000000, s2;
	s6 =	simm.s32 $0x108;
	_ =	swait.ge @!p0 [sflag:s8], $0x0  }
0x24: {  	s3 =	sadd.s32 $0x88, s3;
	s6 =	simm.s32 @!p1 $0x1082;
	[sflag:s4] =	ssyncset.s32 $0xFFFFF086  }
0x25: {  	[simem:s6], [sflag:s4] =	dma.local [hbm:s3], $0xF7A  }
0x26: {  	[smem:$0x3F9B] =	sst s1;
	(tag) =	ssettag s2;
	_ =	strace s9  }
0x27: {  	s1 =	sld [smem:$0x3FAB]  }
0x28: {  	s2 =	sld [smem:$0x3FAC]  }
0x29: {  	s4 =	sld [smem:$0x3FAE]  }
0x2a: {  	p0 =	seq.s32 s5, $0x0;
	s5 =	sld [smem:$0x3FAF]  }
0x2b: {  	s6 =	sld [smem:$0x3FB0]  }
0x2c: {  	s7 =	sld [smem:$0x3FB1]  }
0x2d: {  	s3 =	simm.s32 $0x108;
	s8 =	sld [smem:$0x3FB2]  }
0x2e: {  	s3 =	simm.s32 @!p0 $0x1082;
	s9 =	sld [smem:$0x3FB3]  }
0x2f: {  	lr =	sadd.s32 s0, s3;
	s0 =	sld [smem:$0x3FAA]  }
0x30: {  	s3 =	sld [smem:$0x3FAD]  }
0x31: {  	[smem:$0x3FB6] =	sst s10  }
0x32: {  	s10 =	sld [smem:$0x3FB4];
	_ =	sdelay $0x3  }
0x33: {  	p0 =	seq.s32 s10, $0x1;
	s10 =	sld [smem:$0x3FB6];
	_ =	sdelay $0x3  }
0x34: {  	[smem:$0x3FB6] =	sst s10  }
0x35: {  	s10 =	sld [smem:$0x3FB5];
	_ =	sdelay $0x3  }
0x36: {  	p1 =	seq.s32 s10, $0x1;
	s10 =	sld [smem:$0x3FB6];
	_ =	sdelay $0x3  }
0x37: {  	[smem:$0x3FB6] =	sst s10  }
0x38: {  	s10 =	sld [smem:$0x3FB7]  }
0x39: {  	_ = 	snop;
	(pc) =	sbr.ind lr, $3  }
0x3a: {  	_ = 	snop  }
0x3b: {  	_ = 	snop  }
0x3c: {  	p2 =	seq.s32 s10, $0x1;
	s10 =	sld [smem:$0x3FB6]  }
0x3d: {  	_ =	shalt  }
0x3e: {  	_ =	shalt  }
0x3f: {  	_ =	shalt  }
0x40: {  	_ =	shalt  }
0x41: {  	_ =	shalt  }
0x42: {  	_ =	shalt  }
0x43: {  	_ =	shalt  }
0x44: {  	_ =	shalt  }
0x45: {  	_ =	shalt  }
0x46: {  	_ =	shalt  }
0x47: {  	_ =	shalt  }
0x48: {  	_ =	shalt  }
0x49: {  	_ =	shalt  }
0x4a: {  	_ =	shalt  }
0x4b: {  	_ =	shalt  }
0x4c: {  	_ =	shalt  }
0x4d: {  	_ =	shalt  }
0x4e: {  	_ =	shalt  }
0x4f: {  	_ =	shalt  }
0x50: {  	_ =	shalt  }
0x51: {  	_ =	shalt  }
0x52: {  	_ =	shalt  }
0x53: {  	_ =	shalt  }
0x54: {  	_ =	shalt  }
0x55: {  	_ =	shalt  }
0x56: {  	_ =	shalt  }
0x57: {  	_ =	shalt  }
0x58: {  	_ =	shalt  }
0x59: {  	_ =	shalt  }
0x5a: {  	_ =	shalt  }
0x5b: {  	_ =	shalt  }
0x5c: {  	_ =	shalt  }
0x5d: {  	_ =	shalt  }
0x5e: {  	_ =	shalt  }
0x5f: {  	_ =	shalt  }
0x60: {  	_ =	shalt  }
0x61: {  	_ =	shalt  }
0x62: {  	_ =	shalt  }
0x63: {  	_ =	shalt  }
0x64: {  	_ =	shalt  }
0x65: {  	_ =	shalt  }
0x66: {  	_ =	shalt  }
0x67: {  	_ =	shalt  }
0x68: {  	_ =	shalt  }
0x69: {  	_ =	shalt  }
0x6a: {  	_ =	shalt  }
0x6b: {  	_ =	shalt  }
0x6c: {  	_ =	shalt  }
0x6d: {  	_ =	shalt  }
0x6e: {  	_ =	shalt  }
0x6f: {  	_ =	shalt  }
0x70: {  	_ =	shalt  }
0x71: {  	_ =	shalt  }
0x72: {  	_ =	shalt  }
0x73: {  	_ =	shalt  }
0x74: {  	_ =	shalt  }
0x75: {  	_ =	shalt  }
0x76: {  	_ =	shalt  }
0x77: {  	_ =	shalt  }
0x78: {  	_ =	shalt  }
0x79: {  	_ =	shalt  }
0x7a: {  	_ =	shalt  }
0x7b: {  	_ =	shalt  }
0x7c: {  	_ =	shalt  }
0x7d: {  	_ =	shalt  }
0x7e: {  	_ =	shalt  }
0x7f: {  	_ =	shalt  }
0x80: {  	_ =	shalt  }
0x81: {  	_ =	shalt  }
0x82: {  	_ =	shalt  }
0x83: {  	_ =	shalt  }
0x84: {  	_ =	shalt  }
0x85: {  	_ =	shalt  }
0x86: {  	_ =	shalt  }
0x87: {  	_ =	shalt  }
.Lfunc_end0:
.L_simem_size_0:
called_computation.1_lowered:
.L_overlay_start_0:
0x88: {  	s2 =	sld [smem:$0x3FD9]  }
0x89: {  	s3 =	sld [smem:$0x3FFE];
	_ =	sdelay $0x1  }
0x8a: {  	s1 =	srdreg.scid  }
0x8b: {  	s0 =	sand.u32 $0x1, s1  }
0x8c: {  	s17 =	sshll.u32 s0, $0xA;
	s2 =	sadd.s32 s3, s2  }
0x8d: {  	s2 =	sadd.s32 s2, s17  }
0x8e: {  	[smem:$0x3FC2] =	sst s2  }
0x8f: {  	_ = 	snop  }
0x90: {  	s2 =	sld [smem:$0x3FD0];
	(tm) =	ssettm $0x1  }
0x91: {  	s18 =	sld [smem:$0x3FFB];
	_ =	sdelay $0x3  }
0x92: {  	_ =	strace s18  }
0x93: {  	s3 =	sld [smem:$0x3FFC];
	_ =	sdelay $0x3  }
0x94: {  	_ =	strace s3  }
0x95: {  	s3 =	sld [smem:$0x3FFD];
	_ =	sdelay $0x3  }
0x96: {  	_ =	strace s3  }
0x97: {  	_ =	strace $0x8FFFFFFF  }
0x98: {  	s19 =	sld [smem:$0x3FDB];
	_ =	sdelay $0x1  }
0x99: {  	s4 =	simm.s32 $_scs_section_size  }
0x9a: {  	s5 =	simm.s32 $_size__tile_overlayer_lowered;
	s6 =	simm.s32 $_tile_overlayer_lowered  }
0x9b: {  	s22 =	simm.s32 $0x1BFF;
	s21 =	sshll.u32 s6, $0x1;
	s3 =	sadd.s32 s4, s19  }
0x9c: {  	s7 =	simm.s32 $0x0;
	s20 =	sshll.u32 s5, $0x1;
	s5 =	sadd.s32 s21, s3  }
0x9d: {  	[timem:s7], [sflag:s22] =	dma.local [hbm:s5], s20  }
0x9e: {  	_ =	swait.ge [sflag:s22], s20  }
0x9f: {  	s4 =	ssub.s32 $0x0, s20;
	[sflag:s22] =	ssyncset.done $0x0  }
0xa0: {  	[sflag:s22] =	ssyncadd.s32 s4;
	_ =	sdelay $0x1  }
0xa1: {  	s23 =	simm.s32 $0x1B8B  }
0xa2: {  	_ =	swait.ge [sflag:s23], $0x1  }
0xa3: {  	[sflag:s23] =	ssyncset.done $0x0  }
0xa4: {  	s25 =	simm.s32 $0x1B8E;
	s24 =	sld [smem:$0x3FFE];
	[sflag:s23] =	ssyncadd.s32 $0xFFFFFFFF  }
0xa5: {  	s26 =	simm.s32 $execute0_lowered;
	[smem:$0x3FD2] =	sst s25  }
0xa6: {  	s5 =	sshll.u32 s26, $0x1;
	_ =	strace $0x80000049;
	[dreg:$0x1] =	wrdreg $0xFFFFFFFF  }
0xa7: {  	s28 =	simm.s32 $_size_execute0_lowered;
	s3 =	sadd.s32 s3, s5;
	[dreg:$0x0] =	wrdreg $0x0  }
0xa8: {  	s5 =	sshll.u32 s28, $0x1;
	[dreg:$0x2] =	wrdreg s3  }
0xa9: {  	[dreg:$0x3] =	wrdreg s5  }
0xaa: {  	[dreg:$0x4] =	wrdreg $0xC0  }
0xab: {  	_ =	task [dreg:s7], $0x5FFFF  }
0xac: {  	[dreg:$0x1] =	wrdreg $0xFFFFFFFF  }
0xad: {  	[dreg:$0x0] =	wrdreg $0x60  }
0xae: {  	[dreg:$0x2] =	wrdreg s24  }
0xaf: {  	[dreg:$0x3] =	wrdreg s2  }
0xb0: {  	[dreg:$0x4] =	wrdreg $0x9  }
0xb1: {  	_ =	task.clear_ibuf [dreg:s7], $0x5FFFF;
	_ =	strace $0x90000049  }
0xb2: {  	s29 =	simm.s32 $0x9;
	_ =	strace $0x8000004B  }
0xb3: {  	_ =	swait.ge [sflag:s29], $0x1  }
0xb4: {  	[sflag:s29] =	ssyncadd.s32 $0xFFFFFFFF  }
0xb5: {  	_ =	strace $0x9000004B  }
0xb6: {  	_ =	sfence  }
0xb7: {  	s30 =	sld [smem:$0x0];
	_ =	sdelay $0x2  }
0xb8: {  	s31 =	sshll.u32 s1, $0xD;
	s1 =	sshrl.u32 s1, $0x2  }
0xb9: {  	s3 =	sand.u32 $0x4000, s31;
	s1 =	sadd.s32 s1, s30  }
0xba: {  	s0 =	sor.u32 s3, s0;
	s1 =	sshll.u32 s1, $0x11  }
0xbb: {  	s0 =	sor.u32 s1, s0  }
0xbc: {  	s0 =	sadd.s32 $0x8F2B, s0  }
0xbd: {  	[sflag:s0] =	ssyncadd.remote.s32 $0x1  }
0xbe: {  	_ =	sfence.sel $0xFFFF  }
0xbf: {  	[dreg:$0x0] =	wrdreg $0xFFFFFFFF;
	(pc) =	sbr.abs _section_cstart, $3  }
0xc0: {  	[dreg:$0x1] =	wrdreg $0xFFFFFFFF  }
0xc1: {  	_ =	task.clear_ibuf [dreg:s7], $0x2FFFF;
	_ =	strace $0x9FFFFFFF  }
0xc2: {  	(tm) =	ssettm $0x7FFFFFFF  }
0xc3: {  	_ =	shalt  }
tec
execute0_lowered:
.L_overlay_start_1:
0x0: {  	(tag) =	ssettag $0x1  }
0x1: {  	s0 =	rddreg [dreg:$0x0]  }
0x2: {  	s2 =	rddreg [dreg:$0x1];
	s1 =	simm.s32 $0x0;
	s3 =	srdreg.scid  }
0x3: {  	s8 =	stileid.u32;
	s14 =	simm.s32 $0x2;
	s16 =	simm.s32 $0x100  }
0x4: {  	s15 =	simm.s32 $0xA100;
	s17 =	simm.s32 $0xB100;
	s18 =	simm.s32 $0xC100  }
0x5: {  	s13 =	simm.s32 $0xC900;
	s19 =	simm.s32 $0xD100;
	s20 =	simm.s32 $0xD900  }
0x6: {  	s21 =	simm.s32 $0xE100;
	s22 =	simm.s32 $0xE900;
	s23 =	simm.s32 $0xF100  }
0x7: {  	s24 =	simm.s32 $0xF900;
	[smem:$0x7FF] =	sst s1;
	s4 =	sand.u32 $0x1, s3  }
0x8: {  	s3 =	sadd.s32 $0xA2200, s0;
	s9 =	sadd.s32 $0x1600, s0;
	s7 =	sshll.u32 s8, $0x7  }
0x9: {  	s8 =	sshll.u32 s8, $0xA;
	s11 =	sadd.s32 $0x1610, s0;
	s5 =	ssub.s32 $0x2, s4  }
0xa: {  	_ =	strace $0x8000004A;
	s4 =	sshll.u32 s4, $0x6;
	s6 =	sshrl.u32 s5, $0x1  }
0xb: {  	s10 =	sor.u32 s4, s7;
	s4 =	sor.u32 s4, s8;
	s7 =	sadd.s32 $0xA2400, s0  }
0xc: {  	s5 =	ssub.s32 s5, s6;
	s4 =	sshrl.u32 s4, $0x3;
	s12 =	sor.u32 $0x20, s10  }
0xd: {  	s6 =	sadd.s32 $0xA2300, s0;
	s28 =	sshll.u32 s10, $0x7;
	s10 =	simm.s32 $0x9900  }
0xe: {  	s25 =	sadd.s32 s9, s4;
	s4 =	sadd.s32 s4, s11;
	s26 =	sand.u32 $0x60, s12  }
0xf: {  	s30 =	sshll.u32 s12, $0x7;
	s31 =	smax.u32 s5, $0x1;
	[dreg:$0x3] =	wrdreg s25  }
0x10: {  	s12 =	simm.s32 $0xB900;
	[dreg:$0x4] =	wrdreg s4;
	s4 =	sor.u32 s8, s26  }
0x11: {  	s8 =	sadd.s32 $0xA2500, s0;
	s0 =	sadd.s32 s2, s28;
	[dreg:$0x9] =	wrdreg s31  }
0x12: {  	s4 =	sshrl.u32 s4, $0x3;
	[dreg:$0x5] =	wrdreg s0;
	s0 =	sadd.s32 s2, s30  }
0x13: {  	v2 =	vlaneseq.u32;
	s25 =	simm.s32 $0x0;
	s29 =	sadd.s32 s9, s4;
	[dreg:$0x8] =	wrdreg s0  }
0x14: {  	vm0 =	vmmov $0xffff;
	v1 =	vshrl.u32 v2, $0x3;
	s2 =	simm.s32 $0x1;
	s4 =	sadd.s32 s4, s11;
	[dreg:$0x6] =	wrdreg s29  }
0x15: {  	v0 =	vand.u32 $0x7, v2;
	v2 =	vor.u32 $0x8, v2;
	v1 =	vmul.u32 $0x8, v1;
	s9 =	simm.s32 $0x9100;
	s11 =	simm.s32 $0xA900;
	[dreg:$0x7] =	wrdreg s4  }
.LBB2_1:
0x16: {  	s0 =	rddreg [dreg:$0x3]  }
0x17: {  	[tilespmem:s1], [sflag:$0x2] =	stream.linear.gather [hbm4b:s0+s1], $0x20, $0x38;
	[tilespmem:$0x10100] =	vst v63  }
0x18: {  	_ =	swait.ge [sflag:s14], $0x20  }
0x19: {  	[sflag:s14] =	ssyncset.done $0x0  }
0x1a: {  	s4 =	simm.s32 $0x80;
	s28 =	rddreg [dreg:$0x4];
	[sflag:s14] =	ssyncadd.s32 $0xFFFFFFE0  }
0x1b: {  	[tilespmem:s4], [sflag:$0x2] =	stream.linear.gather [hbm4b:s28+s1], $0x20, $0x38;
	[tilespmem:$0x10100] =	vst v63  }
0x1c: {  	_ =	swait.ge [sflag:s14], $0x20  }
0x1d: {  	[sflag:s14] =	ssyncset.done $0x0  }
0x1e: {  	[sflag:s14] =	ssyncadd.s32 $0xFFFFFFE0  }
0x1f: {  	v3 =	vld [tilespmem:$0x0];
	_ =	sdelay $0x4  }
0x20: {  	v4 =	vshll.u32 v3, $0x3  }
0x21: {  	v3 =	vand.u32 $0x7, v3;
	v4 =	vand.u32 $0xFFFFFFC0, v4  }
0x22: {  	v3 =	vor.u32 v3, v4  }
0x23: {  	v4 =	vperm.xlane v3, v0;
	_ =	sdelay $0x1  }
0x24: {  	v4 =	vadd.s32 v1, v4;
	_ =	sdelay $0x4  }
0x25: {  	[tilespmem:s16], [sflag:$0x1] =	stream.indirect_vreg.gather [hbm4b:s3+s1], $0x80, v4, vm0, $0xb8;
	[tilespmem:$0x10100] =	vst v63  }
0x26: {  	s29 =	simm.s32 $0x900;
	v3 =	vperm.xlane v3, v2  }
0x27: {  	[tilespmem:s29], [sflag:$0x1] =	stream.indirect_vreg.gather [hbm4b:s6+s1], $0x80, v4, vm0, $0xb8;
	[tilespmem:$0x10100] =	vst v63  }
0x28: {  	s30 =	simm.s32 $0x1100;
	v3 =	vadd.s32 v1, v3  }
0x29: {  	[tilespmem:s30], [sflag:$0x1] =	stream.indirect_vreg.gather [hbm4b:s7+s1], $0x80, v4, vm0, $0xb8;
	[tilespmem:$0x10100] =	vst v63  }
0x2a: {  	s31 =	simm.s32 $0x1900  }
0x2b: {  	[tilespmem:s31], [sflag:$0x1] =	stream.indirect_vreg.gather [hbm4b:s8+s1], $0x80, v4, vm0, $0xb8;
	[tilespmem:$0x10100] =	vst v63  }
0x2c: {  	s4 =	simm.s32 $0x2100  }
0x2d: {  	[tilespmem:s4], [sflag:$0x1] =	stream.indirect_vreg.gather [hbm4b:s3+s1], $0x80, v3, vm0, $0xb8;
	[tilespmem:$0x10100] =	vst v63  }
0x2e: {  	s5 =	simm.s32 $0x2900  }
0x2f: {  	[tilespmem:s5], [sflag:$0x1] =	stream.indirect_vreg.gather [hbm4b:s6+s1], $0x80, v3, vm0, $0xb8;
	[tilespmem:$0x10100] =	vst v63  }
0x30: {  	s26 =	simm.s32 $0x3100  }
0x31: {  	[tilespmem:s26], [sflag:$0x1] =	stream.indirect_vreg.gather [hbm4b:s7+s1], $0x80, v3, vm0, $0xb8;
	[tilespmem:$0x10100] =	vst v63  }
0x32: {  	s28 =	simm.s32 $0x3900  }
0x33: {  	[tilespmem:s28], [sflag:$0x1] =	stream.indirect_vreg.gather [hbm4b:s8+s1], $0x80, v3, vm0, $0xb8;
	[tilespmem:$0x10100] =	vst v63  }
0x34: {  	v3 =	vld [tilespmem:$0x10];
	_ =	sdelay $0x4  }
0x35: {  	v61 =	vshll.u32 v3, $0x3  }
0x36: {  	v3 =	vand.u32 $0x7, v3;
	v4 =	vand.u32 $0xFFFFFFC0, v61  }
0x37: {  	v3 =	vor.u32 v3, v4  }
0x38: {  	v4 =	vperm.xlane v3, v0;
	_ =	sdelay $0x1  }
0x39: {  	v4 =	vadd.s32 v1, v4;
	_ =	sdelay $0x3  }
0x3a: {  	s29 =	simm.s32 $0x4100  }
0x3b: {  	[tilespmem:s29], [sflag:$0x1] =	stream.indirect_vreg.gather [hbm4b:s3+s1], $0x80, v4, vm0, $0xb8;
	[tilespmem:$0x10100] =	vst v63  }
0x3c: {  	s30 =	simm.s32 $0x4900;
	v3 =	vperm.xlane v3, v2  }
0x3d: {  	[tilespmem:s30], [sflag:$0x1] =	stream.indirect_vreg.gather [hbm4b:s6+s1], $0x80, v4, vm0, $0xb8;
	[tilespmem:$0x10100] =	vst v63  }
0x3e: {  	s31 =	simm.s32 $0x5100;
	v3 =	vadd.s32 v1, v3  }
0x3f: {  	[tilespmem:s31], [sflag:$0x1] =	stream.indirect_vreg.gather [hbm4b:s7+s1], $0x80, v4, vm0, $0xb8;
	[tilespmem:$0x10100] =	vst v63  }
0x40: {  	s4 =	simm.s32 $0x5900  }
0x41: {  	[tilespmem:s4], [sflag:$0x1] =	stream.indirect_vreg.gather [hbm4b:s8+s1], $0x80, v4, vm0, $0xb8;
	[tilespmem:$0x10100] =	vst v63  }
0x42: {  	s5 =	simm.s32 $0x6100  }
0x43: {  	[tilespmem:s5], [sflag:$0x1] =	stream.indirect_vreg.gather [hbm4b:s3+s1], $0x80, v3, vm0, $0xb8;
	[tilespmem:$0x10100] =	vst v63  }
0x44: {  	s26 =	simm.s32 $0x6900  }
0x45: {  	[tilespmem:s26], [sflag:$0x1] =	stream.indirect_vreg.gather [hbm4b:s6+s1], $0x80, v3, vm0, $0xb8;
	[tilespmem:$0x10100] =	vst v63  }
0x46: {  	s28 =	simm.s32 $0x7100  }
0x47: {  	[tilespmem:s28], [sflag:$0x1] =	stream.indirect_vreg.gather [hbm4b:s7+s1], $0x80, v3, vm0, $0xb8;
	[tilespmem:$0x10100] =	vst v63  }
0x48: {  	s29 =	simm.s32 $0x7900  }
0x49: {  	[tilespmem:s29], [sflag:$0x1] =	stream.indirect_vreg.gather [hbm4b:s8+s1], $0x80, v3, vm0, $0xb8;
	[tilespmem:$0x10100] =	vst v63  }
0x4a: {  	_ =	swait.ge [sflag:s2], $0x8000  }
0x4b: {  	[sflag:s2] =	ssyncset.done $0x0  }
0x4c: {  	[sflag:s2] =	ssyncadd.s32 $0xFFFF8000  }
0x4d: {  	v3 =	vld [tilespmem:$0x80];
	_ =	sdelay $0x4  }
0x4e: {  	v62 =	vshll.u32 v3, $0x3  }
0x4f: {  	v3 =	vand.u32 $0x7, v3;
	v4 =	vand.u32 $0xFFFFFFC0, v62  }
0x50: {  	v3 =	vor.u32 v3, v4  }
0x51: {  	v4 =	vperm.xlane v3, v0;
	_ =	sdelay $0x1  }
0x52: {  	v4 =	vadd.s32 v1, v4;
	_ =	sdelay $0x3  }
0x53: {  	s30 =	simm.s32 $0x8100  }
0x54: {  	[tilespmem:s30], [sflag:$0x1] =	stream.indirect_vreg.gather [hbm4b:s3+s1], $0x80, v4, vm0, $0xb8;
	[tilespmem:$0x10100] =	vst v63  }
0x55: {  	s31 =	simm.s32 $0x8900;
	v3 =	vperm.xlane v3, v2  }
0x56: {  	[tilespmem:s31], [sflag:$0x1] =	stream.indirect_vreg.gather [hbm4b:s6+s1], $0x80, v4, vm0, $0xb8;
	[tilespmem:$0x10100] =	vst v63  }
0x57: {  	v3 =	vadd.s32 v1, v3  }
0x58: {  	[tilespmem:s9], [sflag:$0x1] =	stream.indirect_vreg.gather [hbm4b:s7+s1], $0x80, v4, vm0, $0xb8;
	[tilespmem:$0x10100] =	vst v63  }
0x59: {  	_ = 	snop  }
0x5a: {  	[tilespmem:s10], [sflag:$0x1] =	stream.indirect_vreg.gather [hbm4b:s8+s1], $0x80, v4, vm0, $0xb8;
	[tilespmem:$0x10100] =	vst v63  }
0x5b: {  	_ = 	snop  }
0x5c: {  	[tilespmem:s15], [sflag:$0x1] =	stream.indirect_vreg.gather [hbm4b:s3+s1], $0x80, v3, vm0, $0xb8;
	[tilespmem:$0x10100] =	vst v63  }
0x5d: {  	_ = 	snop  }
0x5e: {  	[tilespmem:s11], [sflag:$0x1] =	stream.indirect_vreg.gather [hbm4b:s6+s1], $0x80, v3, vm0, $0xb8;
	[tilespmem:$0x10100] =	vst v63  }
0x5f: {  	_ = 	snop  }
0x60: {  	[tilespmem:s17], [sflag:$0x1] =	stream.indirect_vreg.gather [hbm4b:s7+s1], $0x80, v3, vm0, $0xb8;
	[tilespmem:$0x10100] =	vst v63  }
0x61: {  	_ = 	snop  }
0x62: {  	[tilespmem:s12], [sflag:$0x1] =	stream.indirect_vreg.gather [hbm4b:s8+s1], $0x80, v3, vm0, $0xb8;
	[tilespmem:$0x10100] =	vst v63  }
0x63: {  	v3 =	vld [tilespmem:$0x90];
	_ =	sdelay $0x4  }
0x64: {  	v63 =	vshll.u32 v3, $0x3  }
0x65: {  	v3 =	vand.u32 $0x7, v3;
	v4 =	vand.u32 $0xFFFFFFC0, v63  }
0x66: {  	v3 =	vor.u32 v3, v4  }
0x67: {  	v4 =	vperm.xlane v3, v0;
	_ =	sdelay $0x1  }
0x68: {  	v4 =	vadd.s32 v1, v4;
	_ =	sdelay $0x4  }
0x69: {  	[tilespmem:s18], [sflag:$0x1] =	stream.indirect_vreg.gather [hbm4b:s3+s1], $0x80, v4, vm0, $0xb8;
	[tilespmem:$0x10100] =	vst v63  }
0x6a: {  	v3 =	vperm.xlane v3, v2  }
0x6b: {  	[tilespmem:s13], [sflag:$0x1] =	stream.indirect_vreg.gather [hbm4b:s6+s1], $0x80, v4, vm0, $0xb8;
	[tilespmem:$0x10100] =	vst v63  }
0x6c: {  	v3 =	vadd.s32 v1, v3  }
0x6d: {  	[tilespmem:s19], [sflag:$0x1] =	stream.indirect_vreg.gather [hbm4b:s7+s1], $0x80, v4, vm0, $0xb8;
	[tilespmem:$0x10100] =	vst v63  }
0x6e: {  	_ = 	snop  }
0x6f: {  	[tilespmem:s20], [sflag:$0x1] =	stream.indirect_vreg.gather [hbm4b:s8+s1], $0x80, v4, vm0, $0xb8;
	[tilespmem:$0x10100] =	vst v63  }
0x70: {  	_ = 	snop  }
0x71: {  	[tilespmem:s21], [sflag:$0x1] =	stream.indirect_vreg.gather [hbm4b:s3+s1], $0x80, v3, vm0, $0xb8;
	[tilespmem:$0x10100] =	vst v63  }
0x72: {  	_ = 	snop  }
0x73: {  	[tilespmem:s22], [sflag:$0x1] =	stream.indirect_vreg.gather [hbm4b:s6+s1], $0x80, v3, vm0, $0xb8;
	[tilespmem:$0x10100] =	vst v63  }
0x74: {  	_ = 	snop  }
0x75: {  	[tilespmem:s23], [sflag:$0x1] =	stream.indirect_vreg.gather [hbm4b:s7+s1], $0x80, v3, vm0, $0xb8;
	[tilespmem:$0x10100] =	vst v63  }
0x76: {  	_ = 	snop  }
0x77: {  	[tilespmem:s24], [sflag:$0x1] =	stream.indirect_vreg.gather [hbm4b:s8+s1], $0x80, v3, vm0, $0xb8;
	[tilespmem:$0x10100] =	vst v63  }
0x78: {  	_ =	swait.ge [sflag:s2], $0x8000  }
0x79: {  	[sflag:s2] =	ssyncset.done $0x0  }
0x7a: {  	s26 =	simm.s32 $0x0;
	[sflag:s2] =	ssyncadd.s32 $0xFFFF8000  }
.LBB2_2:
0x7b: {  	s0 =	sshll.u32 s26, $0xA;
	s4 =	sshll.u32 s26, $0x7  }
0x7c: {  	s5 =	simm.s32 $0x0;
	s0 =	sand.u32 $0x6000, s0;
	s4 =	sand.u32 $0x380, s4  }
0x7d: {  	s28 =	sor.u32 s0, s4;
	s4 =	sand.u32 $0x1C00, s5  }
0x7e: {  	s5 =	sand.u32 $0x70, s5;
	s0 =	sor.u32 s4, s28  }
0x7f: {  	s29 =	sor.u32 s5, s0  }
0x80: {  	v3 =	vld [tilespmem:s29+$0x8100]  }
0x81: {  	v4 =	vld [tilespmem:s29+$0x100];
	_ =	sdelay $0x2  }
0x82: {  	s30 =	simm.s32 $0x80  }
0x83: {  	s4 =	simm.s32 $0x10;
	s5 =	sand.u32 $0x1C00, s30  }
0x84: {  	s31 =	simm.s32 $0x20;
	s0 =	sand.u32 $0x70, s4;
	s4 =	sor.u32 s5, s28;
	v3 =	vadd.f32 v3, v4  }
.LBB2_3:
0x85: {  	p0 =	sne.s32 s31, $0x3F0;
	s0 =	sor.u32 s0, s4  }
0x86: {  	v4 =	vld [tilespmem:s0+$0x8100];
	[tilespmem:s29+$0x100] =	vst v3;
	s29 =	smov.u32 s0  }
0x87: {  	v3 =	vld [tilespmem:s29+$0x100]  }
.Ltmp0:
0x88: {  	(pc) =	sbr.rel @p0 .LBB2_3-.Ltmp0, $4  }
0x89: {  	_ = 	snop  }
0x8a: {  	s30 =	sadd.s32 $0x80, s30  }
0x8b: {  	s4 =	sand.u32 $0x1C00, s30  }
0x8c: {  	s0 =	sand.u32 $0x70, s31;
	s31 =	sadd.s32 $0x10, s31;
	s4 =	sor.u32 s4, s28;
	v3 =	vadd.f32 v4, v3  }
0x8d: {  	s0 =	sor.u32 s0, s4  }
0x8e: {  	v4 =	vld [tilespmem:s0+$0x8100];
	[tilespmem:s29+$0x100] =	vst v3  }
0x8f: {  	v3 =	vld [tilespmem:s0+$0x100]  }
0x90: {  	s26 =	sadd.s32 $0x1, s26  }
0x91: {  	p0 =	sne.s32 s26, $0x20  }
.Ltmp1:
0x92: {  	_ = 	snop;
	(pc) =	sbr.rel @p0 .LBB2_2-.Ltmp1, $3  }
0x93: {  	_ = 	snop  }
0x94: {  	v3 =	vadd.f32 v4, v3;
	_ =	sdelay $0x1  }
0x95: {  	[tilespmem:s0+$0x100] =	vst v3  }
0x96: {  	s26 =	simm.s32 $0x0;
	s0 =	rddreg [dreg:$0x5]  }
0x97: {  	[hbm4b:s0+s26] =	stream.linear.scatter [tilespmem:s16], [sflag:$0x2], $0x8000, $0x38;
	[tilespmem:$0x10100] =	vst v63  }
0x98: {  	_ =	swait.ge [sflag:s14], $0x8000  }
0x99: {  	[sflag:s14] =	ssyncset.done $0x0  }
0x9a: {  	s5 =	rddreg [dreg:$0x6];
	[sflag:s14] =	ssyncadd.s32 $0xFFFF8000  }
0x9b: {  	[tilespmem:s26], [sflag:$0x2] =	stream.linear.gather [hbm4b:s5+s26], $0x20, $0x38;
	[tilespmem:$0x10100] =	vst v63  }
0x9c: {  	_ =	swait.ge [sflag:s14], $0x20  }
0x9d: {  	[sflag:s14] =	ssyncset.done $0x0  }
0x9e: {  	s4 =	simm.s32 $0x80;
	s29 =	rddreg [dreg:$0x7];
	[sflag:s14] =	ssyncadd.s32 $0xFFFFFFE0  }
0x9f: {  	[tilespmem:s4], [sflag:$0x2] =	stream.linear.gather [hbm4b:s29+s26], $0x20, $0x38;
	[tilespmem:$0x10100] =	vst v63  }
0xa0: {  	_ =	swait.ge [sflag:s14], $0x20  }
0xa1: {  	[sflag:s14] =	ssyncset.done $0x0  }
0xa2: {  	[sflag:s14] =	ssyncadd.s32 $0xFFFFFFE0  }
0xa3: {  	v3 =	vld [tilespmem:$0x0];
	_ =	sdelay $0x4  }
0xa4: {  	v4 =	vshll.u32 v3, $0x3  }
0xa5: {  	v3 =	vand.u32 $0x7, v3;
	v4 =	vand.u32 $0xFFFFFFC0, v4  }
0xa6: {  	v3 =	vor.u32 v3, v4  }
0xa7: {  	v4 =	vperm.xlane v3, v0;
	_ =	sdelay $0x1  }
0xa8: {  	v4 =	vadd.s32 v1, v4;
	_ =	sdelay $0x4  }
0xa9: {  	[tilespmem:s16], [sflag:$0x1] =	stream.indirect_vreg.gather [hbm4b:s3+s26], $0x80, v4, vm0, $0xb8;
	[tilespmem:$0x10100] =	vst v63  }
0xaa: {  	s30 =	simm.s32 $0x900;
	v3 =	vperm.xlane v3, v2  }
0xab: {  	[tilespmem:s30], [sflag:$0x1] =	stream.indirect_vreg.gather [hbm4b:s6+s26], $0x80, v4, vm0, $0xb8;
	[tilespmem:$0x10100] =	vst v63  }
0xac: {  	s31 =	simm.s32 $0x1100;
	v3 =	vadd.s32 v1, v3  }
0xad: {  	[tilespmem:s31], [sflag:$0x1] =	stream.indirect_vreg.gather [hbm4b:s7+s26], $0x80, v4, vm0, $0xb8;
	[tilespmem:$0x10100] =	vst v63  }
0xae: {  	s4 =	simm.s32 $0x1900  }
0xaf: {  	[tilespmem:s4], [sflag:$0x1] =	stream.indirect_vreg.gather [hbm4b:s8+s26], $0x80, v4, vm0, $0xb8;
	[tilespmem:$0x10100] =	vst v63  }
0xb0: {  	s5 =	simm.s32 $0x2100  }
0xb1: {  	[tilespmem:s5], [sflag:$0x1] =	stream.indirect_vreg.gather [hbm4b:s3+s26], $0x80, v3, vm0, $0xb8;
	[tilespmem:$0x10100] =	vst v63  }
0xb2: {  	s29 =	simm.s32 $0x2900  }
0xb3: {  	[tilespmem:s29], [sflag:$0x1] =	stream.indirect_vreg.gather [hbm4b:s6+s26], $0x80, v3, vm0, $0xb8;
	[tilespmem:$0x10100] =	vst v63  }
0xb4: {  	s30 =	simm.s32 $0x3100  }
0xb5: {  	[tilespmem:s30], [sflag:$0x1] =	stream.indirect_vreg.gather [hbm4b:s7+s26], $0x80, v3, vm0, $0xb8;
	[tilespmem:$0x10100] =	vst v63  }
0xb6: {  	s31 =	simm.s32 $0x3900  }
0xb7: {  	[tilespmem:s31], [sflag:$0x1] =	stream.indirect_vreg.gather [hbm4b:s8+s26], $0x80, v3, vm0, $0xb8;
	[tilespmem:$0x10100] =	vst v63  }
0xb8: {  	v3 =	vld [tilespmem:$0x10];
	_ =	sdelay $0x4  }
0xb9: {  	v61 =	vshll.u32 v3, $0x3  }
0xba: {  	v3 =	vand.u32 $0x7, v3;
	v4 =	vand.u32 $0xFFFFFFC0, v61  }
0xbb: {  	v3 =	vor.u32 v3, v4  }
0xbc: {  	v4 =	vperm.xlane v3, v0;
	_ =	sdelay $0x1  }
0xbd: {  	v4 =	vadd.s32 v1, v4;
	_ =	sdelay $0x3  }
0xbe: {  	s4 =	simm.s32 $0x4100  }
0xbf: {  	[tilespmem:s4], [sflag:$0x1] =	stream.indirect_vreg.gather [hbm4b:s3+s26], $0x80, v4, vm0, $0xb8;
	[tilespmem:$0x10100] =	vst v63  }
0xc0: {  	s5 =	simm.s32 $0x4900;
	v3 =	vperm.xlane v3, v2  }
0xc1: {  	[tilespmem:s5], [sflag:$0x1] =	stream.indirect_vreg.gather [hbm4b:s6+s26], $0x80, v4, vm0, $0xb8;
	[tilespmem:$0x10100] =	vst v63  }
0xc2: {  	s29 =	simm.s32 $0x5100;
	v3 =	vadd.s32 v1, v3  }
0xc3: {  	[tilespmem:s29], [sflag:$0x1] =	stream.indirect_vreg.gather [hbm4b:s7+s26], $0x80, v4, vm0, $0xb8;
	[tilespmem:$0x10100] =	vst v63  }
0xc4: {  	s30 =	simm.s32 $0x5900  }
0xc5: {  	[tilespmem:s30], [sflag:$0x1] =	stream.indirect_vreg.gather [hbm4b:s8+s26], $0x80, v4, vm0, $0xb8;
	[tilespmem:$0x10100] =	vst v63  }
0xc6: {  	s31 =	simm.s32 $0x6100  }
0xc7: {  	[tilespmem:s31], [sflag:$0x1] =	stream.indirect_vreg.gather [hbm4b:s3+s26], $0x80, v3, vm0, $0xb8;
	[tilespmem:$0x10100] =	vst v63  }
0xc8: {  	s4 =	simm.s32 $0x6900  }
0xc9: {  	[tilespmem:s4], [sflag:$0x1] =	stream.indirect_vreg.gather [hbm4b:s6+s26], $0x80, v3, vm0, $0xb8;
	[tilespmem:$0x10100] =	vst v63  }
0xca: {  	s5 =	simm.s32 $0x7100  }
0xcb: {  	[tilespmem:s5], [sflag:$0x1] =	stream.indirect_vreg.gather [hbm4b:s7+s26], $0x80, v3, vm0, $0xb8;
	[tilespmem:$0x10100] =	vst v63  }
0xcc: {  	s29 =	simm.s32 $0x7900  }
0xcd: {  	[tilespmem:s29], [sflag:$0x1] =	stream.indirect_vreg.gather [hbm4b:s8+s26], $0x80, v3, vm0, $0xb8;
	[tilespmem:$0x10100] =	vst v63  }
0xce: {  	_ =	swait.ge [sflag:s2], $0x8000  }
0xcf: {  	[sflag:s2] =	ssyncset.done $0x0  }
0xd0: {  	[sflag:s2] =	ssyncadd.s32 $0xFFFF8000  }
0xd1: {  	v3 =	vld [tilespmem:$0x80];
	_ =	sdelay $0x4  }
0xd2: {  	v62 =	vshll.u32 v3, $0x3  }
0xd3: {  	v3 =	vand.u32 $0x7, v3;
	v4 =	vand.u32 $0xFFFFFFC0, v62  }
0xd4: {  	v3 =	vor.u32 v3, v4  }
0xd5: {  	v4 =	vperm.xlane v3, v0;
	_ =	sdelay $0x1  }
0xd6: {  	v4 =	vadd.s32 v1, v4;
	_ =	sdelay $0x3  }
0xd7: {  	s30 =	simm.s32 $0x8100  }
0xd8: {  	[tilespmem:s30], [sflag:$0x1] =	stream.indirect_vreg.gather [hbm4b:s3+s26], $0x80, v4, vm0, $0xb8;
	[tilespmem:$0x10100] =	vst v63  }
0xd9: {  	s31 =	simm.s32 $0x8900;
	v3 =	vperm.xlane v3, v2  }
0xda: {  	[tilespmem:s31], [sflag:$0x1] =	stream.indirect_vreg.gather [hbm4b:s6+s26], $0x80, v4, vm0, $0xb8;
	[tilespmem:$0x10100] =	vst v63  }
0xdb: {  	v3 =	vadd.s32 v1, v3  }
0xdc: {  	[tilespmem:s9], [sflag:$0x1] =	stream.indirect_vreg.gather [hbm4b:s7+s26], $0x80, v4, vm0, $0xb8;
	[tilespmem:$0x10100] =	vst v63  }
0xdd: {  	_ = 	snop  }
0xde: {  	[tilespmem:s10], [sflag:$0x1] =	stream.indirect_vreg.gather [hbm4b:s8+s26], $0x80, v4, vm0, $0xb8;
	[tilespmem:$0x10100] =	vst v63  }
0xdf: {  	_ = 	snop  }
0xe0: {  	[tilespmem:s15], [sflag:$0x1] =	stream.indirect_vreg.gather [hbm4b:s3+s26], $0x80, v3, vm0, $0xb8;
	[tilespmem:$0x10100] =	vst v63  }
0xe1: {  	_ = 	snop  }
0xe2: {  	[tilespmem:s11], [sflag:$0x1] =	stream.indirect_vreg.gather [hbm4b:s6+s26], $0x80, v3, vm0, $0xb8;
	[tilespmem:$0x10100] =	vst v63  }
0xe3: {  	_ = 	snop  }
0xe4: {  	[tilespmem:s17], [sflag:$0x1] =	stream.indirect_vreg.gather [hbm4b:s7+s26], $0x80, v3, vm0, $0xb8;
	[tilespmem:$0x10100] =	vst v63  }
0xe5: {  	_ = 	snop  }
0xe6: {  	[tilespmem:s12], [sflag:$0x1] =	stream.indirect_vreg.gather [hbm4b:s8+s26], $0x80, v3, vm0, $0xb8;
	[tilespmem:$0x10100] =	vst v63  }
0xe7: {  	v3 =	vld [tilespmem:$0x90];
	_ =	sdelay $0x4  }
0xe8: {  	v63 =	vshll.u32 v3, $0x3  }
0xe9: {  	v3 =	vand.u32 $0x7, v3;
	v4 =	vand.u32 $0xFFFFFFC0, v63  }
0xea: {  	v3 =	vor.u32 v3, v4  }
0xeb: {  	v4 =	vperm.xlane v3, v0;
	_ =	sdelay $0x1  }
0xec: {  	v4 =	vadd.s32 v1, v4;
	_ =	sdelay $0x4  }
0xed: {  	[tilespmem:s18], [sflag:$0x1] =	stream.indirect_vreg.gather [hbm4b:s3+s26], $0x80, v4, vm0, $0xb8;
	[tilespmem:$0x10100] =	vst v63  }
0xee: {  	v3 =	vperm.xlane v3, v2  }
0xef: {  	[tilespmem:s13], [sflag:$0x1] =	stream.indirect_vreg.gather [hbm4b:s6+s26], $0x80, v4, vm0, $0xb8;
	[tilespmem:$0x10100] =	vst v63  }
0xf0: {  	v3 =	vadd.s32 v1, v3  }
0xf1: {  	[tilespmem:s19], [sflag:$0x1] =	stream.indirect_vreg.gather [hbm4b:s7+s26], $0x80, v4, vm0, $0xb8;
	[tilespmem:$0x10100] =	vst v63  }
0xf2: {  	_ = 	snop  }
0xf3: {  	[tilespmem:s20], [sflag:$0x1] =	stream.indirect_vreg.gather [hbm4b:s8+s26], $0x80, v4, vm0, $0xb8;
	[tilespmem:$0x10100] =	vst v63  }
0xf4: {  	_ = 	snop  }
0xf5: {  	[tilespmem:s21], [sflag:$0x1] =	stream.indirect_vreg.gather [hbm4b:s3+s26], $0x80, v3, vm0, $0xb8;
	[tilespmem:$0x10100] =	vst v63  }
0xf6: {  	_ = 	snop  }
0xf7: {  	[tilespmem:s22], [sflag:$0x1] =	stream.indirect_vreg.gather [hbm4b:s6+s26], $0x80, v3, vm0, $0xb8;
	[tilespmem:$0x10100] =	vst v63  }
0xf8: {  	_ = 	snop  }
0xf9: {  	[tilespmem:s23], [sflag:$0x1] =	stream.indirect_vreg.gather [hbm4b:s7+s26], $0x80, v3, vm0, $0xb8;
	[tilespmem:$0x10100] =	vst v63  }
0xfa: {  	_ = 	snop  }
0xfb: {  	[tilespmem:s24], [sflag:$0x1] =	stream.indirect_vreg.gather [hbm4b:s8+s26], $0x80, v3, vm0, $0xb8;
	[tilespmem:$0x10100] =	vst v63  }
0xfc: {  	_ =	swait.ge [sflag:s2], $0x8000  }
0xfd: {  	[sflag:s2] =	ssyncset.done $0x0  }
0xfe: {  	s28 =	simm.s32 $0x0;
	[sflag:s2] =	ssyncadd.s32 $0xFFFF8000  }
.LBB2_6:
0xff: {  	s0 =	sshll.u32 s28, $0xA;
	s4 =	sshll.u32 s28, $0x7  }
0x100: {  	s0 =	sand.u32 $0x6000, s0;
	s4 =	sand.u32 $0x380, s4  }
0x101: {  	s29 =	sor.u32 s0, s4;
	s4 =	sand.u32 $0x1C00, s26  }
0x102: {  	s5 =	sand.u32 $0x70, s26;
	s0 =	sor.u32 s4, s29  }
0x103: {  	s30 =	sor.u32 s5, s0  }
0x104: {  	v3 =	vld [tilespmem:s30+$0x8100]  }
0x105: {  	v4 =	vld [tilespmem:s30+$0x100];
	_ =	sdelay $0x2  }
0x106: {  	s31 =	simm.s32 $0x80  }
0x107: {  	s4 =	simm.s32 $0x10;
	s5 =	sand.u32 $0x1C00, s31  }
0x108: {  	s4 =	sand.u32 $0x70, s4;
	s0 =	simm.s32 $0x20;
	s5 =	sor.u32 s5, s29;
	v3 =	vadd.f32 v3, v4  }
.LBB2_7:
0x109: {  	p0 =	sne.s32 s0, $0x3F0;
	s4 =	sor.u32 s4, s5  }
0x10a: {  	v4 =	vld [tilespmem:s4+$0x8100];
	[tilespmem:s30+$0x100] =	vst v3;
	s30 =	smov.u32 s4  }
0x10b: {  	v3 =	vld [tilespmem:s30+$0x100]  }
.Ltmp2:
0x10c: {  	(pc) =	sbr.rel @p0 .LBB2_7-.Ltmp2, $4  }
0x10d: {  	_ = 	snop  }
0x10e: {  	s31 =	sadd.s32 $0x80, s31  }
0x10f: {  	s5 =	sand.u32 $0x1C00, s31  }
0x110: {  	s4 =	sand.u32 $0x70, s0;
	s0 =	sadd.s32 $0x10, s0;
	s5 =	sor.u32 s5, s29;
	v3 =	vadd.f32 v4, v3  }
0x111: {  	s0 =	sor.u32 s4, s5  }
0x112: {  	v4 =	vld [tilespmem:s0+$0x8100];
	[tilespmem:s30+$0x100] =	vst v3  }
0x113: {  	v3 =	vld [tilespmem:s0+$0x100]  }
0x114: {  	s28 =	sadd.s32 $0x1, s28  }
0x115: {  	p0 =	sne.s32 s28, $0x20  }
.Ltmp3:
0x116: {  	_ = 	snop;
	(pc) =	sbr.rel @p0 .LBB2_6-.Ltmp3, $3  }
0x117: {  	_ = 	snop  }
0x118: {  	v3 =	vadd.f32 v4, v3;
	_ =	sdelay $0x1  }
0x119: {  	[tilespmem:s0+$0x100] =	vst v3  }
0x11a: {  	s0 =	rddreg [dreg:$0x8]  }
0x11b: {  	[hbm4b:s0+s1] =	stream.linear.scatter [tilespmem:s16], [sflag:$0x2], $0x8000, $0x38;
	[tilespmem:$0x10100] =	vst v63  }
0x11c: {  	_ =	swait.ge [sflag:s14], $0x8000  }
0x11d: {  	s25 =	sadd.s32 $0x1, s25;
	s31 =	rddreg [dreg:$0x9]  }
0x11e: {  	p0 =	sne.s32 s25, s31  }
.Ltmp4:
0x11f: {  	_ = 	snop;
	(pc) =	sbr.rel @p0 .LBB2_1-.Ltmp4, $3  }
0x120: {  	_ =	sdelay $0x1  }
0x121: {  	[sflag:s14] =	ssyncset.done $0x0  }
0x122: {  	[sflag:s14] =	ssyncadd.s32 $0xFFFF8000  }
0x123: {  	_ =	sfence.sel $0x180000  }
0x124: {  	[bflag:$0x0] =	sbarrier.arrive $0xFFFF  }
0x125: {  	_ =	strace $0x9000004A  }
0x126: {  	s0 =	stileid.u32;
	[bflag:$0x2] =	sbarrier.arrive $0xFFFF  }
0x127: {  	p0 =	sne.s32 s0, $0x0;
	s0 =	rddreg [dreg:$0x2]  }
0x128: {  	s0 =	sadd.s32 @!p0 $0x100000, s0  }
0x129: {  	[sflag:s0] =	ssyncadd.tile.s32 @!p0 $0x1;
	_ =	shalt  }
.Lfunc_end2:
_tile_overlayer_lowered:
.L_overlay_start_2:
0x12a: {  	(tag) =	ssettag $0x2  }
0x12b: {  	s0 =	rddreg [dreg:$0x0];
	s2 =	stileid.u32  }
0x12c: {  	s1 =	rddreg [dreg:$0x1];
	p0 =	sne.s32 s2, $0x0  }
0x12d: {  	s3 =	rddreg [dreg:$0x2];
	[bflag:$0x3] =	sbarrier.arrive $0xFFFF;
	s2 =	simm.s32 @!p0 $0x1C02  }
0x12e: {  	[timem:s3], [sflag:s2] =	dma.local @!p0 [hbm:s0], s1  }
0x12f: {  	s0 =	simm.s32 @!p0 $0x2  }
0x130: {  	_ =	swait.ge @!p0 [sflag:s0], s1  }
0x131: {  	s1 =	ssub.s32 @!p0 $0x0, s1;
	[sflag:s0] =	ssyncset.done @!p0 $0x0  }
0x132: {  	[sflag:s0] =	ssyncadd.s32 @!p0 s1  }
0x133: {  	[bflag:$0x3] =	sbarrier.arrive $0xFFFF  }
0x134: {  	_ =	shalt  }

</sc_bundles>
